<compile_context>
chip_gen: v7x
topology: tpu7x:2x2x1
jax: 0.10.2.dev20260603
libtpu: 0.0.44.dev20260713+nightly
codegen_flags: <defaults>
</compile_context>

<pallas_src>
import functools

import jax
import jax.numpy as jnp
from jax import lax
from jax.experimental import pallas as pl
from jax.experimental.pallas import tpu as pltpu
from jax.experimental.pallas import tpu_sc as plsc

D = 1.702
NC = 2
NS = 16
NW = NC * NS
L = 16
B = 16384
BPW = B // NW


def _irt_body(sid_hbm, eid_hbm, theta_hbm, disc_hbm, diff_hbm, guess_hbm,
              out_hbm, sidx, eidx, th, di, df, gu, out_v, sem, sem0, sem1):
    wid = lax.axis_index("s") * NC + lax.axis_index("c")
    base = wid * BPW
    ic1 = pltpu.async_copy(sid_hbm.at[pl.ds(base, BPW)], sidx.at[0], sem)
    ic2 = pltpu.async_copy(eid_hbm.at[pl.ds(base, BPW)], eidx.at[0], sem)
    H = 384
    H1 = BPW - H
    h0 = pl.ds(0, H)
    h1 = pl.ds(H, H1)
    ic1.wait()
    cth0 = pltpu.async_copy(theta_hbm.at[sidx.at[:, h0]], th.at[:, h0], sem0)
    cth1 = pltpu.async_copy(theta_hbm.at[sidx.at[:, h1]], th.at[:, h1], sem1)
    ic2.wait()
    cdi0 = pltpu.async_copy(disc_hbm.at[eidx.at[:, h0]], di.at[:, h0], sem0)
    cdf0 = pltpu.async_copy(diff_hbm.at[eidx.at[:, h0]], df.at[:, h0], sem0)
    cgu0 = pltpu.async_copy(guess_hbm.at[eidx.at[:, h0]], gu.at[:, h0], sem0)
    cdi1 = pltpu.async_copy(disc_hbm.at[eidx.at[:, h1]], di.at[:, h1], sem1)
    cdf1 = pltpu.async_copy(diff_hbm.at[eidx.at[:, h1]], df.at[:, h1], sem1)
    cgu1 = pltpu.async_copy(guess_hbm.at[eidx.at[:, h1]], gu.at[:, h1], sem1)

    def compute_pair(i):
        sa = pl.ds((2 * i) * L, L)
        sb = pl.ds((2 * i + 1) * L, L)
        xa = di[0, sa]
        xb = di[0, sb]
        ua = jnp.exp(-jnp.abs(xa))
        ub = jnp.exp(-jnp.abs(xb))
        sa_ = ua / (2.0 + ua)
        sb_ = ub / (2.0 + ub)
        s2a = sa_ * sa_
        s2b = sb_ * sb_
        pa = 1.0 + s2a * (1.0 / 3.0 + s2a * (1.0 / 5.0 + s2a * (1.0 / 7.0)))
        pb = 1.0 + s2b * (1.0 / 3.0 + s2b * (1.0 / 5.0 + s2b * (1.0 / 7.0)))
        spa = jnp.maximum(xa, 0.0) + 2.0 * sa_ * pa
        spb = jnp.maximum(xb, 0.0) + 2.0 * sb_ * pb
        ta = th[0, sa] - df[0, sa]
        tb = th[0, sb] - df[0, sb]
        ea = jnp.exp(-D * spa * ta)
        eb = jnp.exp(-D * spb * tb)
        ga = gu[0, sa]
        gb = gu[0, sb]
        out_v[0, sa] = ga + (1.0 - ga) / (1.0 + ea)
        out_v[0, sb] = gb + (1.0 - gb) / (1.0 + eb)

    NP = BPW // (2 * L)
    SPLIT = H // (2 * L)
    for c in (cth0, cdi0, cdf0, cgu0):
        c.wait()
    pl.loop(0, SPLIT)(compute_pair)
    oc0 = pltpu.async_copy(out_v.at[0].at[h0], out_hbm.at[pl.ds(base, H)], sem)
    for c in (cth1, cdi1, cdf1, cgu1):
        c.wait()
    pl.loop(SPLIT, NP)(compute_pair)
    oc1 = pltpu.async_copy(out_v.at[0].at[h1], out_hbm.at[pl.ds(base + H, H1)], sem)
    oc0.wait()
    oc1.wait()


_irt = functools.partial(
    pl.kernel,
    out_type=jax.ShapeDtypeStruct((B,), jnp.float32),
    mesh=plsc.VectorSubcoreMesh(core_axis_name="c", subcore_axis_name="s"),
    scratch_types=[
        pltpu.VMEM((1, BPW), jnp.int32),
        pltpu.VMEM((1, BPW), jnp.int32),
        pltpu.VMEM((1, BPW), jnp.float32),
        pltpu.VMEM((1, BPW), jnp.float32),
        pltpu.VMEM((1, BPW), jnp.float32),
        pltpu.VMEM((1, BPW), jnp.float32),
        pltpu.VMEM((1, BPW), jnp.float32),
        pltpu.SemaphoreType.DMA,
        pltpu.SemaphoreType.DMA,
        pltpu.SemaphoreType.DMA,
    ],
)(_irt_body)


def kernel(student_id, exercise_id, theta_table, disc_table, diff_table, guess_table):
    return _irt(student_id.astype(jnp.int32), exercise_id.astype(jnp.int32),
                theta_table.reshape(1, -1), disc_table.reshape(1, -1),
                diff_table.reshape(1, -1), guess_table.reshape(1, -1))

# --- scband reference (transcript-rebuilt; emitter-appended) ---
"""Pipeline reference for scband-neural-irt-30872224923924 (READ-ONLY COPY).

The authoritative reference and input builder live on the scoring server;
editing this copy changes nothing except your own understanding.
"""

import jax, jax.numpy as jnp
import numpy as np

STUDENT_NUM = 1000000
EXERCISE_NUM = 100000
BATCH = 16384
D = 1.702


def setup_inputs(seed: int = 0) -> dict:
    key = jax.random.key(seed)
    ks = jax.random.split(key, 6)
    student_id = jax.random.randint(ks[0], (BATCH,), 0, STUDENT_NUM, dtype=jnp.int64 if jax.config.jax_enable_x64 else jnp.int32)
    exercise_id = jax.random.randint(ks[1], (BATCH,), 0, EXERCISE_NUM, dtype=jnp.int64 if jax.config.jax_enable_x64 else jnp.int32)
    theta_table = jax.random.normal(ks[2], (STUDENT_NUM, 1), dtype=jnp.float32)
    disc_table = jax.random.normal(ks[3], (EXERCISE_NUM, 1), dtype=jnp.float32)
    diff_table = jax.random.normal(ks[4], (EXERCISE_NUM, 1), dtype=jnp.float32)
    guess_table = jax.random.normal(ks[5], (EXERCISE_NUM, 1), dtype=jnp.float32)
    return {
        "student_id": student_id,
        "exercise_id": exercise_id,
        "theta_table": theta_table,
        "disc_table": disc_table,
        "diff_table": diff_table,
        "guess_table": guess_table,
    }


def reference(student_id, exercise_id, theta_table, disc_table, diff_table, guess_table):
    # Embedding lookups (gather) for scalar IRT parameters
    theta = jnp.squeeze(jnp.take(theta_table, student_id, axis=0), axis=-1)
    disc = jnp.squeeze(jnp.take(disc_table, exercise_id, axis=0), axis=-1)
    diff = jnp.squeeze(jnp.take(diff_table, exercise_id, axis=0), axis=-1)
    guess = jnp.squeeze(jnp.take(guess_table, exercise_id, axis=0), axis=-1)
    disc = jax.nn.softplus(disc)
    return guess + (1.0 - guess) / (1.0 + jnp.exp(-D * disc * (theta - diff)))

if __name__ == "__main__":
    import jax
    _d = setup_inputs()
    print(jax.jit(kernel)(*tuple(_d.values())))

</pallas_src>

<mosaic_0001>
#map = affine_map<(d0, d1) -> (0)>
#map1 = affine_map<(d0, d1) -> (0, 0)>
module attributes {stable_mosaic.version = 14 : i64} {
  func.func @_irt_body(%arg0: i32, %arg1: i32, %arg2: memref<16384xi32, #tpu.memory_space<hbm>>, %arg3: memref<16384xi32, #tpu.memory_space<hbm>>, %arg4: memref<1x1000000xf32, #tpu.memory_space<hbm>>, %arg5: memref<1x100000xf32, #tpu.memory_space<hbm>>, %arg6: memref<1x100000xf32, #tpu.memory_space<hbm>>, %arg7: memref<1x100000xf32, #tpu.memory_space<hbm>>, %arg8: memref<16384xf32, #tpu.memory_space<hbm>>, %arg9: memref<1x512xi32, #tpu.memory_space<vmem>>, %arg10: memref<1x512xi32, #tpu.memory_space<vmem>>, %arg11: memref<1x512xf32, #tpu.memory_space<vmem>>, %arg12: memref<1x512xf32, #tpu.memory_space<vmem>>, %arg13: memref<1x512xf32, #tpu.memory_space<vmem>>, %arg14: memref<1x512xf32, #tpu.memory_space<vmem>>, %arg15: memref<1x512xf32, #tpu.memory_space<vmem>>, %arg16: memref<!tpu.dma_semaphore, #tpu.memory_space<semaphore_mem>>, %arg17: memref<!tpu.dma_semaphore, #tpu.memory_space<semaphore_mem>>, %arg18: memref<!tpu.dma_semaphore, #tpu.memory_space<semaphore_mem>>) attributes {dimension_semantics = [#tpu.dimension_semantics<core_parallel>, #tpu.dimension_semantics<subcore_parallel>], iteration_bounds = array<i64: 2, 16>, scalar_prefetch = 0 : i64, scratch_operands = 10 : i64, tpu.core_type = #tpu.core_type<sc_vector_subcore>, window_params = [{transform_indices = #map}, {transform_indices = #map}, {transform_indices = #map1}, {transform_indices = #map1}, {transform_indices = #map1}, {transform_indices = #map1}, {transform_indices = #map}]} {
    %mul3A = arith.constant 2 : i32
    %mul3A_0 = arith.muli %arg1, %mul3A : i32
    %add3A = arith.addi %mul3A_0, %arg0 : i32
    %mul3A_1 = arith.constant 512 : i32
    %mul3A_2 = arith.muli %add3A, %mul3A_1 : i32
    %dma_start3A = arith.constant 0 : i32
    %dma_start3A_3 = arith.constant 0 : i32
    %dma_start3A_4 = tpu.memref_slice %arg9[%dma_start3A, %dma_start3A_3] : memref<1x512xi32, #tpu.memory_space<vmem>> -> memref<1x512xi32, #tpu.memory_space<vmem>>
    %dma_start3A_5 = tpu.memref_squeeze %dma_start3A_4 : memref<1x512xi32, #tpu.memory_space<vmem>> -> memref<512xi32, #tpu.memory_space<vmem>>
    %dma_start3A_6 = tpu.memref_slice %arg2[%mul3A_2] : memref<16384xi32, #tpu.memory_space<hbm>> -> memref<512xi32, #tpu.memory_space<hbm>>
    %dma_start3A_7 = arith.constant 0 : i32
    %dma_start3A_8 = tpu.memref_slice %arg9[%dma_start3A, %dma_start3A_7] : memref<1x512xi32, #tpu.memory_space<vmem>> -> memref<1x512xi32, #tpu.memory_space<vmem>>
    %dma_start3A_9 = tpu.memref_squeeze %dma_start3A_8 : memref<1x512xi32, #tpu.memory_space<vmem>> -> memref<512xi32, #tpu.memory_space<vmem>>
    %dma_start3A_10 = tpu.memref_slice %arg2[%mul3A_2] : memref<16384xi32, #tpu.memory_space<hbm>> -> memref<512xi32, #tpu.memory_space<hbm>>
    tpu.enqueue_dma source(%dma_start3A_10 : memref<512xi32, #tpu.memory_space<hbm>>) target(%dma_start3A_9 : memref<512xi32, #tpu.memory_space<vmem>>) target_semaphore(%arg16 : memref<!tpu.dma_semaphore, #tpu.memory_space<semaphore_mem>>)
    %dma_start3A_11 = arith.constant 0 : i32
    %dma_start3A_12 = arith.constant 0 : i32
    %dma_start3A_13 = tpu.memref_slice %arg10[%dma_start3A_11, %dma_start3A_12] : memref<1x512xi32, #tpu.memory_space<vmem>> -> memref<1x512xi32, #tpu.memory_space<vmem>>
    %dma_start3A_14 = tpu.memref_squeeze %dma_start3A_13 : memref<1x512xi32, #tpu.memory_space<vmem>> -> memref<512xi32, #tpu.memory_space<vmem>>
    %dma_start3A_15 = tpu.memref_slice %arg3[%mul3A_2] : memref<16384xi32, #tpu.memory_space<hbm>> -> memref<512xi32, #tpu.memory_space<hbm>>
    %dma_start3A_16 = arith.constant 0 : i32
    %dma_start3A_17 = tpu.memref_slice %arg10[%dma_start3A_11, %dma_start3A_16] : memref<1x512xi32, #tpu.memory_space<vmem>> -> memref<1x512xi32, #tpu.memory_space<vmem>>
    %dma_start3A_18 = tpu.memref_squeeze %dma_start3A_17 : memref<1x512xi32, #tpu.memory_space<vmem>> -> memref<512xi32, #tpu.memory_space<vmem>>
    %dma_start3A_19 = tpu.memref_slice %arg3[%mul3A_2] : memref<16384xi32, #tpu.memory_space<hbm>> -> memref<512xi32, #tpu.memory_space<hbm>>
    tpu.enqueue_dma source(%dma_start3A_19 : memref<512xi32, #tpu.memory_space<hbm>>) target(%dma_start3A_18 : memref<512xi32, #tpu.memory_space<vmem>>) target_semaphore(%arg16 : memref<!tpu.dma_semaphore, #tpu.memory_space<semaphore_mem>>)
    %dma_wait3A = arith.constant 0 : i32
    %dma_wait3A_20 = arith.constant 0 : i32
    %dma_wait3A_21 = tpu.memref_slice %arg9[%dma_wait3A, %dma_wait3A_20] : memref<1x512xi32, #tpu.memory_space<vmem>> -> memref<1x512xi32, #tpu.memory_space<vmem>>
    %dma_wait3A_22 = tpu.memref_squeeze %dma_wait3A_21 : memref<1x512xi32, #tpu.memory_space<vmem>> -> memref<512xi32, #tpu.memory_space<vmem>>
    %dma_wait3A_23 = tpu.memref_slice %arg2[%mul3A_2] : memref<16384xi32, #tpu.memory_space<hbm>> -> memref<512xi32, #tpu.memory_space<hbm>>
    %dma_wait3A_24 = arith.constant 0 : i32
    %dma_wait3A_25 = tpu.memref_slice %arg9[%dma_wait3A, %dma_wait3A_24] : memref<1x512xi32, #tpu.memory_space<vmem>> -> memref<1x512xi32, #tpu.memory_space<vmem>>
    %dma_wait3A_26 = tpu.memref_squeeze %dma_wait3A_25 : memref<1x512xi32, #tpu.memory_space<vmem>> -> memref<512xi32, #tpu.memory_space<vmem>>
    %dma_wait3A_27 = tpu.memref_slice %arg2[%mul3A_2] : memref<16384xi32, #tpu.memory_space<hbm>> -> memref<512xi32, #tpu.memory_space<hbm>>
    tpu.wait_dma2 semaphore(%arg16 : memref<!tpu.dma_semaphore, #tpu.memory_space<semaphore_mem>>) src(%dma_wait3A_27 : memref<512xi32, #tpu.memory_space<hbm>>) dst(%dma_wait3A_26 : memref<512xi32, #tpu.memory_space<vmem>>)
    %dma_start3A_28 = arith.constant 0 : i32
    %dma_start3A_29 = arith.constant 0 : i32
    %dma_start3A_30 = tpu.memref_slice %arg11[%dma_start3A_28, %dma_start3A_29] : memref<1x512xf32, #tpu.memory_space<vmem>> -> memref<1x384xf32, #tpu.memory_space<vmem>>
    %dma_start3A_31 = arith.constant 0 : i32
    %dma_start3A_32 = arith.constant 0 : i32
    %dma_start3A_33 = tpu.memref_slice %arg9[%dma_start3A_31, %dma_start3A_32] : memref<1x512xi32, #tpu.memory_space<vmem>> -> memref<1x384xi32, #tpu.memory_space<vmem>>
    %dma_start3A_34 = arith.constant 0 : i32
    %dma_start3A_35 = arith.constant 0 : i32
    %dma_start3A_36 = tpu.memref_slice %arg4[%dma_start3A_34, %dma_start3A_35] : memref<1x1000000xf32, #tpu.memory_space<hbm>> -> memref<1x1000000xf32, #tpu.memory_space<hbm>>
    tpu.enqueue_indirect_dma source(%dma_start3A_36 : memref<1x1000000xf32, #tpu.memory_space<hbm>>) target(%dma_start3A_30 : memref<1x384xf32, #tpu.memory_space<vmem>>) offsets(%dma_start3A_33 : memref<1x384xi32, #tpu.memory_space<vmem>>) semaphore(%arg17 : memref<!tpu.dma_semaphore, #tpu.memory_space<semaphore_mem>>)
    %dma_start3A_37 = arith.constant 0 : i32
    %dma_start3A_38 = arith.constant 384 : i32
    %dma_start3A_39 = tpu.memref_slice %arg11[%dma_start3A_37, %dma_start3A_38] : memref<1x512xf32, #tpu.memory_space<vmem>> -> memref<1x128xf32, #tpu.memory_space<vmem>>
    %dma_start3A_40 = arith.constant 0 : i32
    %dma_start3A_41 = arith.constant 384 : i32
    %dma_start3A_42 = tpu.memref_slice %arg9[%dma_start3A_40, %dma_start3A_41] : memref<1x512xi32, #tpu.memory_space<vmem>> -> memref<1x128xi32, #tpu.memory_space<vmem>>
    %dma_start3A_43 = arith.constant 0 : i32
    %dma_start3A_44 = arith.constant 0 : i32
    %dma_start3A_45 = tpu.memref_slice %arg4[%dma_start3A_43, %dma_start3A_44] : memref<1x1000000xf32, #tpu.memory_space<hbm>> -> memref<1x1000000xf32, #tpu.memory_space<hbm>>
    tpu.enqueue_indirect_dma source(%dma_start3A_45 : memref<1x1000000xf32, #tpu.memory_space<hbm>>) target(%dma_start3A_39 : memref<1x128xf32, #tpu.memory_space<vmem>>) offsets(%dma_start3A_42 : memref<1x128xi32, #tpu.memory_space<vmem>>) semaphore(%arg18 : memref<!tpu.dma_semaphore, #tpu.memory_space<semaphore_mem>>)
    %dma_wait3A_46 = arith.constant 0 : i32
    %dma_wait3A_47 = arith.constant 0 : i32
    %dma_wait3A_48 = tpu.memref_slice %arg10[%dma_wait3A_46, %dma_wait3A_47] : memref<1x512xi32, #tpu.memory_space<vmem>> -> memref<1x512xi32, #tpu.memory_space<vmem>>
    %dma_wait3A_49 = tpu.memref_squeeze %dma_wait3A_48 : memref<1x512xi32, #tpu.memory_space<vmem>> -> memref<512xi32, #tpu.memory_space<vmem>>
    %dma_wait3A_50 = tpu.memref_slice %arg3[%mul3A_2] : memref<16384xi32, #tpu.memory_space<hbm>> -> memref<512xi32, #tpu.memory_space<hbm>>
    %dma_wait3A_51 = arith.constant 0 : i32
    %dma_wait3A_52 = tpu.memref_slice %arg10[%dma_wait3A_46, %dma_wait3A_51] : memref<1x512xi32, #tpu.memory_space<vmem>> -> memref<1x512xi32, #tpu.memory_space<vmem>>
    %dma_wait3A_53 = tpu.memref_squeeze %dma_wait3A_52 : memref<1x512xi32, #tpu.memory_space<vmem>> -> memref<512xi32, #tpu.memory_space<vmem>>
    %dma_wait3A_54 = tpu.memref_slice %arg3[%mul3A_2] : memref<16384xi32, #tpu.memory_space<hbm>> -> memref<512xi32, #tpu.memory_space<hbm>>
    tpu.wait_dma2 semaphore(%arg16 : memref<!tpu.dma_semaphore, #tpu.memory_space<semaphore_mem>>) src(%dma_wait3A_54 : memref<512xi32, #tpu.memory_space<hbm>>) dst(%dma_wait3A_53 : memref<512xi32, #tpu.memory_space<vmem>>)
    %dma_start3A_55 = arith.constant 0 : i32
    %dma_start3A_56 = arith.constant 0 : i32
    %dma_start3A_57 = tpu.memref_slice %arg12[%dma_start3A_55, %dma_start3A_56] : memref<1x512xf32, #tpu.memory_space<vmem>> -> memref<1x384xf32, #tpu.memory_space<vmem>>
    %dma_start3A_58 = arith.constant 0 : i32
    %dma_start3A_59 = arith.constant 0 : i32
    %dma_start3A_60 = tpu.memref_slice %arg10[%dma_start3A_58, %dma_start3A_59] : memref<1x512xi32, #tpu.memory_space<vmem>> -> memref<1x384xi32, #tpu.memory_space<vmem>>
    %dma_start3A_61 = arith.constant 0 : i32
    %dma_start3A_62 = arith.constant 0 : i32
    %dma_start3A_63 = tpu.memref_slice %arg5[%dma_start3A_61, %dma_start3A_62] : memref<1x100000xf32, #tpu.memory_space<hbm>> -> memref<1x100000xf32, #tpu.memory_space<hbm>>
    tpu.enqueue_indirect_dma source(%dma_start3A_63 : memref<1x100000xf32, #tpu.memory_space<hbm>>) target(%dma_start3A_57 : memref<1x384xf32, #tpu.memory_space<vmem>>) offsets(%dma_start3A_60 : memref<1x384xi32, #tpu.memory_space<vmem>>) semaphore(%arg17 : memref<!tpu.dma_semaphore, #tpu.memory_space<semaphore_mem>>)
    %dma_start3A_64 = arith.constant 0 : i32
    %dma_start3A_65 = arith.constant 0 : i32
    %dma_start3A_66 = tpu.memref_slice %arg13[%dma_start3A_64, %dma_start3A_65] : memref<1x512xf32, #tpu.memory_space<vmem>> -> memref<1x384xf32, #tpu.memory_space<vmem>>
    %dma_start3A_67 = arith.constant 0 : i32
    %dma_start3A_68 = arith.constant 0 : i32
    %dma_start3A_69 = tpu.memref_slice %arg10[%dma_start3A_67, %dma_start3A_68] : memref<1x512xi32, #tpu.memory_space<vmem>> -> memref<1x384xi32, #tpu.memory_space<vmem>>
    %dma_start3A_70 = arith.constant 0 : i32
    %dma_start3A_71 = arith.constant 0 : i32
    %dma_start3A_72 = tpu.memref_slice %arg6[%dma_start3A_70, %dma_start3A_71] : memref<1x100000xf32, #tpu.memory_space<hbm>> -> memref<1x100000xf32, #tpu.memory_space<hbm>>
    tpu.enqueue_indirect_dma source(%dma_start3A_72 : memref<1x100000xf32, #tpu.memory_space<hbm>>) target(%dma_start3A_66 : memref<1x384xf32, #tpu.memory_space<vmem>>) offsets(%dma_start3A_69 : memref<1x384xi32, #tpu.memory_space<vmem>>) semaphore(%arg17 : memref<!tpu.dma_semaphore, #tpu.memory_space<semaphore_mem>>)
    %dma_start3A_73 = arith.constant 0 : i32
    %dma_start3A_74 = arith.constant 0 : i32
    %dma_start3A_75 = tpu.memref_slice %arg14[%dma_start3A_73, %dma_start3A_74] : memref<1x512xf32, #tpu.memory_space<vmem>> -> memref<1x384xf32, #tpu.memory_space<vmem>>
    %dma_start3A_76 = arith.constant 0 : i32
    %dma_start3A_77 = arith.constant 0 : i32
    %dma_start3A_78 = tpu.memref_slice %arg10[%dma_start3A_76, %dma_start3A_77] : memref<1x512xi32, #tpu.memory_space<vmem>> -> memref<1x384xi32, #tpu.memory_space<vmem>>
    %dma_start3A_79 = arith.constant 0 : i32
    %dma_start3A_80 = arith.constant 0 : i32
    %dma_start3A_81 = tpu.memref_slice %arg7[%dma_start3A_79, %dma_start3A_80] : memref<1x100000xf32, #tpu.memory_space<hbm>> -> memref<1x100000xf32, #tpu.memory_space<hbm>>
    tpu.enqueue_indirect_dma source(%dma_start3A_81 : memref<1x100000xf32, #tpu.memory_space<hbm>>) target(%dma_start3A_75 : memref<1x384xf32, #tpu.memory_space<vmem>>) offsets(%dma_start3A_78 : memref<1x384xi32, #tpu.memory_space<vmem>>) semaphore(%arg17 : memref<!tpu.dma_semaphore, #tpu.memory_space<semaphore_mem>>)
    %dma_start3A_82 = arith.constant 0 : i32
    %dma_start3A_83 = arith.constant 384 : i32
    %dma_start3A_84 = tpu.memref_slice %arg12[%dma_start3A_82, %dma_start3A_83] : memref<1x512xf32, #tpu.memory_space<vmem>> -> memref<1x128xf32, #tpu.memory_space<vmem>>
    %dma_start3A_85 = arith.constant 0 : i32
    %dma_start3A_86 = arith.constant 384 : i32
    %dma_start3A_87 = tpu.memref_slice %arg10[%dma_start3A_85, %dma_start3A_86] : memref<1x512xi32, #tpu.memory_space<vmem>> -> memref<1x128xi32, #tpu.memory_space<vmem>>
    %dma_start3A_88 = arith.constant 0 : i32
    %dma_start3A_89 = arith.constant 0 : i32
    %dma_start3A_90 = tpu.memref_slice %arg5[%dma_start3A_88, %dma_start3A_89] : memref<1x100000xf32, #tpu.memory_space<hbm>> -> memref<1x100000xf32, #tpu.memory_space<hbm>>
    tpu.enqueue_indirect_dma source(%dma_start3A_90 : memref<1x100000xf32, #tpu.memory_space<hbm>>) target(%dma_start3A_84 : memref<1x128xf32, #tpu.memory_space<vmem>>) offsets(%dma_start3A_87 : memref<1x128xi32, #tpu.memory_space<vmem>>) semaphore(%arg18 : memref<!tpu.dma_semaphore, #tpu.memory_space<semaphore_mem>>)
    %dma_start3A_91 = arith.constant 0 : i32
    %dma_start3A_92 = arith.constant 384 : i32
    %dma_start3A_93 = tpu.memref_slice %arg13[%dma_start3A_91, %dma_start3A_92] : memref<1x512xf32, #tpu.memory_space<vmem>> -> memref<1x128xf32, #tpu.memory_space<vmem>>
    %dma_start3A_94 = arith.constant 0 : i32
    %dma_start3A_95 = arith.constant 384 : i32
    %dma_start3A_96 = tpu.memref_slice %arg10[%dma_start3A_94, %dma_start3A_95] : memref<1x512xi32, #tpu.memory_space<vmem>> -> memref<1x128xi32, #tpu.memory_space<vmem>>
    %dma_start3A_97 = arith.constant 0 : i32
    %dma_start3A_98 = arith.constant 0 : i32
    %dma_start3A_99 = tpu.memref_slice %arg6[%dma_start3A_97, %dma_start3A_98] : memref<1x100000xf32, #tpu.memory_space<hbm>> -> memref<1x100000xf32, #tpu.memory_space<hbm>>
    tpu.enqueue_indirect_dma source(%dma_start3A_99 : memref<1x100000xf32, #tpu.memory_space<hbm>>) target(%dma_start3A_93 : memref<1x128xf32, #tpu.memory_space<vmem>>) offsets(%dma_start3A_96 : memref<1x128xi32, #tpu.memory_space<vmem>>) semaphore(%arg18 : memref<!tpu.dma_semaphore, #tpu.memory_space<semaphore_mem>>)
    %dma_start3A_100 = arith.constant 0 : i32
    %dma_start3A_101 = arith.constant 384 : i32
    %dma_start3A_102 = tpu.memref_slice %arg14[%dma_start3A_100, %dma_start3A_101] : memref<1x512xf32, #tpu.memory_space<vmem>> -> memref<1x128xf32, #tpu.memory_space<vmem>>
    %dma_start3A_103 = arith.constant 0 : i32
    %dma_start3A_104 = arith.constant 384 : i32
    %dma_start3A_105 = tpu.memref_slice %arg10[%dma_start3A_103, %dma_start3A_104] : memref<1x512xi32, #tpu.memory_space<vmem>> -> memref<1x128xi32, #tpu.memory_space<vmem>>
    %dma_start3A_106 = arith.constant 0 : i32
    %dma_start3A_107 = arith.constant 0 : i32
    %dma_start3A_108 = tpu.memref_slice %arg7[%dma_start3A_106, %dma_start3A_107] : memref<1x100000xf32, #tpu.memory_space<hbm>> -> memref<1x100000xf32, #tpu.memory_space<hbm>>
    tpu.enqueue_indirect_dma source(%dma_start3A_108 : memref<1x100000xf32, #tpu.memory_space<hbm>>) target(%dma_start3A_102 : memref<1x128xf32, #tpu.memory_space<vmem>>) offsets(%dma_start3A_105 : memref<1x128xi32, #tpu.memory_space<vmem>>) semaphore(%arg18 : memref<!tpu.dma_semaphore, #tpu.memory_space<semaphore_mem>>)
    %dma_wait3A_109 = arith.constant 0 : i32
    %dma_wait3A_110 = arith.constant 0 : i32
    %dma_wait3A_111 = tpu.memref_slice %arg11[%dma_wait3A_109, %dma_wait3A_110] : memref<1x512xf32, #tpu.memory_space<vmem>> -> memref<1x384xf32, #tpu.memory_space<vmem>>
    %dma_wait3A_112 = arith.constant 0 : i32
    %dma_wait3A_113 = arith.constant 0 : i32
    %dma_wait3A_114 = tpu.memref_slice %arg9[%dma_wait3A_112, %dma_wait3A_113] : memref<1x512xi32, #tpu.memory_space<vmem>> -> memref<1x384xi32, #tpu.memory_space<vmem>>
    %dma_wait3A_115 = arith.constant 0 : i32
    %dma_wait3A_116 = arith.constant 0 : i32
    %dma_wait3A_117 = tpu.memref_slice %arg4[%dma_wait3A_115, %dma_wait3A_116] : memref<1x1000000xf32, #tpu.memory_space<hbm>> -> memref<1x1000000xf32, #tpu.memory_space<hbm>>
    tpu.wait_indirect_dma semaphore(%arg17 : memref<!tpu.dma_semaphore, #tpu.memory_space<semaphore_mem>>) src(%dma_wait3A_117 : memref<1x1000000xf32, #tpu.memory_space<hbm>>) dst(%dma_wait3A_111 : memref<1x384xf32, #tpu.memory_space<vmem>>)
    %dma_wait3A_118 = arith.constant 0 : i32
    %dma_wait3A_119 = arith.constant 0 : i32
    %dma_wait3A_120 = tpu.memref_slice %arg12[%dma_wait3A_118, %dma_wait3A_119] : memref<1x512xf32, #tpu.memory_space<vmem>> -> memref<1x384xf32, #tpu.memory_space<vmem>>
    %dma_wait3A_121 = arith.constant 0 : i32
    %dma_wait3A_122 = arith.constant 0 : i32
    %dma_wait3A_123 = tpu.memref_slice %arg10[%dma_wait3A_121, %dma_wait3A_122] : memref<1x512xi32, #tpu.memory_space<vmem>> -> memref<1x384xi32, #tpu.memory_space<vmem>>
    %dma_wait3A_124 = arith.constant 0 : i32
    %dma_wait3A_125 = arith.constant 0 : i32
    %dma_wait3A_126 = tpu.memref_slice %arg5[%dma_wait3A_124, %dma_wait3A_125] : memref<1x100000xf32, #tpu.memory_space<hbm>> -> memref<1x100000xf32, #tpu.memory_space<hbm>>
    tpu.wait_indirect_dma semaphore(%arg17 : memref<!tpu.dma_semaphore, #tpu.memory_space<semaphore_mem>>) src(%dma_wait3A_126 : memref<1x100000xf32, #tpu.memory_space<hbm>>) dst(%dma_wait3A_120 : memref<1x384xf32, #tpu.memory_space<vmem>>)
    %dma_wait3A_127 = arith.constant 0 : i32
    %dma_wait3A_128 = arith.constant 0 : i32
    %dma_wait3A_129 = tpu.memref_slice %arg13[%dma_wait3A_127, %dma_wait3A_128] : memref<1x512xf32, #tpu.memory_space<vmem>> -> memref<1x384xf32, #tpu.memory_space<vmem>>
    %dma_wait3A_130 = arith.constant 0 : i32
    %dma_wait3A_131 = arith.constant 0 : i32
    %dma_wait3A_132 = tpu.memref_slice %arg10[%dma_wait3A_130, %dma_wait3A_131] : memref<1x512xi32, #tpu.memory_space<vmem>> -> memref<1x384xi32, #tpu.memory_space<vmem>>
    %dma_wait3A_133 = arith.constant 0 : i32
    %dma_wait3A_134 = arith.constant 0 : i32
    %dma_wait3A_135 = tpu.memref_slice %arg6[%dma_wait3A_133, %dma_wait3A_134] : memref<1x100000xf32, #tpu.memory_space<hbm>> -> memref<1x100000xf32, #tpu.memory_space<hbm>>
    tpu.wait_indirect_dma semaphore(%arg17 : memref<!tpu.dma_semaphore, #tpu.memory_space<semaphore_mem>>) src(%dma_wait3A_135 : memref<1x100000xf32, #tpu.memory_space<hbm>>) dst(%dma_wait3A_129 : memref<1x384xf32, #tpu.memory_space<vmem>>)
    %dma_wait3A_136 = arith.constant 0 : i32
    %dma_wait3A_137 = arith.constant 0 : i32
    %dma_wait3A_138 = tpu.memref_slice %arg14[%dma_wait3A_136, %dma_wait3A_137] : memref<1x512xf32, #tpu.memory_space<vmem>> -> memref<1x384xf32, #tpu.memory_space<vmem>>
    %dma_wait3A_139 = arith.constant 0 : i32
    %dma_wait3A_140 = arith.constant 0 : i32
    %dma_wait3A_141 = tpu.memref_slice %arg10[%dma_wait3A_139, %dma_wait3A_140] : memref<1x512xi32, #tpu.memory_space<vmem>> -> memref<1x384xi32, #tpu.memory_space<vmem>>
    %dma_wait3A_142 = arith.constant 0 : i32
    %dma_wait3A_143 = arith.constant 0 : i32
    %dma_wait3A_144 = tpu.memref_slice %arg7[%dma_wait3A_142, %dma_wait3A_143] : memref<1x100000xf32, #tpu.memory_space<hbm>> -> memref<1x100000xf32, #tpu.memory_space<hbm>>
    tpu.wait_indirect_dma semaphore(%arg17 : memref<!tpu.dma_semaphore, #tpu.memory_space<semaphore_mem>>) src(%dma_wait3A_144 : memref<1x100000xf32, #tpu.memory_space<hbm>>) dst(%dma_wait3A_138 : memref<1x384xf32, #tpu.memory_space<vmem>>)
    %scan3A = arith.constant 0 : i32
    %scan3A_145 = arith.constant 12 : i32
    %scan3A_146 = arith.addi %scan3A, %scan3A_145 : i32
    %scan3A_147 = arith.constant 1 : i32
    scf.for %scan3A_244 = %scan3A to %scan3A_146 step %scan3A_147  : i32 {
      %mul3A_245 = arith.constant 1 : i32
      %mul3A_246 = arith.muli %scan3A_244, %mul3A_245 : i32
      %add3A_247 = arith.constant 0 : i32
      %add3A_248 = arith.addi %add3A_247, %mul3A_246 : i32
      %mul3A_249 = arith.constant 2 : i32
      %mul3A_250 = arith.muli %mul3A_249, %add3A_248 : i32
      %mul3A_251 = arith.constant 16 : i32
      %mul3A_252 = arith.muli %mul3A_250, %mul3A_251 : i32
      %mul3A_253 = arith.constant 2 : i32
      %mul3A_254 = arith.muli %mul3A_253, %add3A_248 : i32
      %add3A_255 = arith.constant 1 : i32
      %add3A_256 = arith.addi %mul3A_254, %add3A_255 : i32
      %mul3A_257 = arith.constant 16 : i32
      %mul3A_258 = arith.muli %add3A_256, %mul3A_257 : i32
      %get3A = arith.constant 0 : i32
      %get3A_259 = arith.index_cast %get3A : i32 to index
      %get3A_260 = arith.index_cast %mul3A_252 : i32 to index
      %get3A_261 = tpu.vector_load %arg12[%get3A_259, %get3A_260] {strides = array<i32>} : memref<1x512xf32, #tpu.memory_space<vmem>>, vector<1x16xf32>,
      %get3A_262 = vector.shape_cast %get3A_261 : vector<1x16xf32> to vector<16xf32>
      %get3A_263 = arith.constant 0 : i32
      %get3A_264 = arith.index_cast %get3A_263 : i32 to index
      %get3A_265 = arith.index_cast %mul3A_258 : i32 to index
      %get3A_266 = tpu.vector_load %arg12[%get3A_264, %get3A_265] {strides = array<i32>} : memref<1x512xf32, #tpu.memory_space<vmem>>, vector<1x16xf32>,
      %get3A_267 = vector.shape_cast %get3A_266 : vector<1x16xf32> to vector<16xf32>
      %abs3A = math.absf %get3A_262 : vector<16xf32>
      %neg3A = arith.constant 0.000000e+00 : f32
      %neg3A_268 = vector.broadcast %neg3A : f32 to vector<16xf32>
      %neg3A_269 = arith.subf %neg3A_268, %abs3A : vector<16xf32>
      %exp3A = math.exp %neg3A_269 : vector<16xf32>
      %abs3A_270 = math.absf %get3A_267 : vector<16xf32>
      %neg3A_271 = arith.constant 0.000000e+00 : f32
      %neg3A_272 = vector.broadcast %neg3A_271 : f32 to vector<16xf32>
      %neg3A_273 = arith.subf %neg3A_272, %abs3A_270 : vector<16xf32>
      %exp3A_274 = math.exp %neg3A_273 : vector<16xf32>
      %add3A_275 = arith.constant 2.000000e+00 : f32
      %add3A_276 = vector.broadcast %add3A_275 : f32 to vector<16xf32>
      %add3A_277 = arith.addf %add3A_276, %exp3A : vector<16xf32>
      %div3A = arith.divf %exp3A, %add3A_277 : vector<16xf32>
      %add3A_278 = arith.constant 2.000000e+00 : f32
      %add3A_279 = vector.broadcast %add3A_278 : f32 to vector<16xf32>
      %add3A_280 = arith.addf %add3A_279, %exp3A_274 : vector<16xf32>
      %div3A_281 = arith.divf %exp3A_274, %add3A_280 : vector<16xf32>
      %mul3A_282 = arith.mulf %div3A, %div3A : vector<16xf32>
      %mul3A_283 = arith.mulf %div3A_281, %div3A_281 : vector<16xf32>
      %mul3A_284 = arith.constant 0.142857149 : f32
      %mul3A_285 = vector.broadcast %mul3A_284 : f32 to vector<16xf32>
      %mul3A_286 = arith.mulf %mul3A_282, %mul3A_285 : vector<16xf32>
      %add3A_287 = arith.constant 2.000000e-01 : f32
      %add3A_288 = vector.broadcast %add3A_287 : f32 to vector<16xf32>
      %add3A_289 = arith.addf %add3A_288, %mul3A_286 : vector<16xf32>
      %mul3A_290 = arith.mulf %mul3A_282, %add3A_289 : vector<16xf32>
      %add3A_291 = arith.constant 0.333333343 : f32
      %add3A_292 = vector.broadcast %add3A_291 : f32 to vector<16xf32>
      %add3A_293 = arith.addf %add3A_292, %mul3A_290 : vector<16xf32>
      %mul3A_294 = arith.mulf %mul3A_282, %add3A_293 : vector<16xf32>
      %add3A_295 = arith.constant 1.000000e+00 : f32
      %add3A_296 = vector.broadcast %add3A_295 : f32 to vector<16xf32>
      %add3A_297 = arith.addf %add3A_296, %mul3A_294 : vector<16xf32>
      %mul3A_298 = arith.constant 0.142857149 : f32
      %mul3A_299 = vector.broadcast %mul3A_298 : f32 to vector<16xf32>
      %mul3A_300 = arith.mulf %mul3A_283, %mul3A_299 : vector<16xf32>
      %add3A_301 = arith.constant 2.000000e-01 : f32
      %add3A_302 = vector.broadcast %add3A_301 : f32 to vector<16xf32>
      %add3A_303 = arith.addf %add3A_302, %mul3A_300 : vector<16xf32>
      %mul3A_304 = arith.mulf %mul3A_283, %add3A_303 : vector<16xf32>
      %add3A_305 = arith.constant 0.333333343 : f32
      %add3A_306 = vector.broadcast %add3A_305 : f32 to vector<16xf32>
      %add3A_307 = arith.addf %add3A_306, %mul3A_304 : vector<16xf32>
      %mul3A_308 = arith.mulf %mul3A_283, %add3A_307 : vector<16xf32>
      %add3A_309 = arith.constant 1.000000e+00 : f32
      %add3A_310 = vector.broadcast %add3A_309 : f32 to vector<16xf32>
      %add3A_311 = arith.addf %add3A_310, %mul3A_308 : vector<16xf32>
      %max3A = arith.constant 0.000000e+00 : f32
      %max3A_312 = vector.broadcast %max3A : f32 to vector<16xf32>
      %max3A_313 = arith.maximumf %get3A_262, %max3A_312 : vector<16xf32>
      %mul3A_314 = arith.constant 2.000000e+00 : f32
      %mul3A_315 = vector.broadcast %mul3A_314 : f32 to vector<16xf32>
      %mul3A_316 = arith.mulf %mul3A_315, %div3A : vector<16xf32>
      %mul3A_317 = arith.mulf %mul3A_316, %add3A_297 : vector<16xf32>
      %add3A_318 = arith.addf %max3A_313, %mul3A_317 : vector<16xf32>
      %max3A_319 = arith.constant 0.000000e+00 : f32
      %max3A_320 = vector.broadcast %max3A_319 : f32 to vector<16xf32>
      %max3A_321 = arith.maximumf %get3A_267, %max3A_320 : vector<16xf32>
      %mul3A_322 = arith.constant 2.000000e+00 : f32
      %mul3A_323 = vector.broadcast %mul3A_322 : f32 to vector<16xf32>
      %mul3A_324 = arith.mulf %mul3A_323, %div3A_281 : vector<16xf32>
      %mul3A_325 = arith.mulf %mul3A_324, %add3A_311 : vector<16xf32>
      %add3A_326 = arith.addf %max3A_321, %mul3A_325 : vector<16xf32>
      %get3A_327 = arith.constant 0 : i32
      %get3A_328 = arith.index_cast %get3A_327 : i32 to index
      %get3A_329 = arith.index_cast %mul3A_252 : i32 to index
      %get3A_330 = tpu.vector_load %arg11[%get3A_328, %get3A_329] {strides = array<i32>} : memref<1x512xf32, #tpu.memory_space<vmem>>, vector<1x16xf32>,
      %get3A_331 = vector.shape_cast %get3A_330 : vector<1x16xf32> to vector<16xf32>
      %get3A_332 = arith.constant 0 : i32
      %get3A_333 = arith.index_cast %get3A_332 : i32 to index
      %get3A_334 = arith.index_cast %mul3A_252 : i32 to index
      %get3A_335 = tpu.vector_load %arg13[%get3A_333, %get3A_334] {strides = array<i32>} : memref<1x512xf32, #tpu.memory_space<vmem>>, vector<1x16xf32>,
      %get3A_336 = vector.shape_cast %get3A_335 : vector<1x16xf32> to vector<16xf32>
      %sub3A = arith.subf %get3A_331, %get3A_336 : vector<16xf32>
      %get3A_337 = arith.constant 0 : i32
      %get3A_338 = arith.index_cast %get3A_337 : i32 to index
      %get3A_339 = arith.index_cast %mul3A_258 : i32 to index
      %get3A_340 = tpu.vector_load %arg11[%get3A_338, %get3A_339] {strides = array<i32>} : memref<1x512xf32, #tpu.memory_space<vmem>>, vector<1x16xf32>,
      %get3A_341 = vector.shape_cast %get3A_340 : vector<1x16xf32> to vector<16xf32>
      %get3A_342 = arith.constant 0 : i32
      %get3A_343 = arith.index_cast %get3A_342 : i32 to index
      %get3A_344 = arith.index_cast %mul3A_258 : i32 to index
      %get3A_345 = tpu.vector_load %arg13[%get3A_343, %get3A_344] {strides = array<i32>} : memref<1x512xf32, #tpu.memory_space<vmem>>, vector<1x16xf32>,
      %get3A_346 = vector.shape_cast %get3A_345 : vector<1x16xf32> to vector<16xf32>
      %sub3A_347 = arith.subf %get3A_341, %get3A_346 : vector<16xf32>
      %mul3A_348 = arith.constant -1.702000e+00 : f32
      %mul3A_349 = vector.broadcast %mul3A_348 : f32 to vector<16xf32>
      %mul3A_350 = arith.mulf %mul3A_349, %add3A_318 : vector<16xf32>
      %mul3A_351 = arith.mulf %mul3A_350, %sub3A : vector<16xf32>
      %exp3A_352 = math.exp %mul3A_351 : vector<16xf32>
      %mul3A_353 = arith.constant -1.702000e+00 : f32
      %mul3A_354 = vector.broadcast %mul3A_353 : f32 to vector<16xf32>
      %mul3A_355 = arith.mulf %mul3A_354, %add3A_326 : vector<16xf32>
      %mul3A_356 = arith.mulf %mul3A_355, %sub3A_347 : vector<16xf32>
      %exp3A_357 = math.exp %mul3A_356 : vector<16xf32>
      %get3A_358 = arith.constant 0 : i32
      %get3A_359 = arith.index_cast %get3A_358 : i32 to index
      %get3A_360 = arith.index_cast %mul3A_252 : i32 to index
      %get3A_361 = tpu.vector_load %arg14[%get3A_359, %get3A_360] {strides = array<i32>} : memref<1x512xf32, #tpu.memory_space<vmem>>, vector<1x16xf32>,
      %get3A_362 = vector.shape_cast %get3A_361 : vector<1x16xf32> to vector<16xf32>
      %get3A_363 = arith.constant 0 : i32
      %get3A_364 = arith.index_cast %get3A_363 : i32 to index
      %get3A_365 = arith.index_cast %mul3A_258 : i32 to index
      %get3A_366 = tpu.vector_load %arg14[%get3A_364, %get3A_365] {strides = array<i32>} : memref<1x512xf32, #tpu.memory_space<vmem>>, vector<1x16xf32>,
      %get3A_367 = vector.shape_cast %get3A_366 : vector<1x16xf32> to vector<16xf32>
      %sub3A_368 = arith.constant 1.000000e+00 : f32
      %sub3A_369 = vector.broadcast %sub3A_368 : f32 to vector<16xf32>
      %sub3A_370 = arith.subf %sub3A_369, %get3A_362 : vector<16xf32>
      %add3A_371 = arith.constant 1.000000e+00 : f32
      %add3A_372 = vector.broadcast %add3A_371 : f32 to vector<16xf32>
      %add3A_373 = arith.addf %add3A_372, %exp3A_352 : vector<16xf32>
      %div3A_374 = arith.divf %sub3A_370, %add3A_373 : vector<16xf32>
      %add3A_375 = arith.addf %get3A_362, %div3A_374 : vector<16xf32>
      %swap3A = arith.constant 0 : i32
      %swap3A_376 = arith.index_cast %swap3A : i32 to index
      %swap3A_377 = arith.index_cast %mul3A_252 : i32 to index
      %swap3A_378 = tpu.vector_load %arg15[%swap3A_376, %swap3A_377] {strides = array<i32>} : memref<1x512xf32, #tpu.memory_space<vmem>>, vector<1x16xf32>,
      %swap3A_379 = vector.shape_cast %swap3A_378 : vector<1x16xf32> to vector<16xf32>
      %swap3A_380 = vector.shape_cast %add3A_375 : vector<16xf32> to vector<1x16xf32>
      tpu.vector_store %arg15[%swap3A_376, %swap3A_377], %swap3A_380 {strides = array<i32>} : memref<1x512xf32, #tpu.memory_space<vmem>>, vector<1x16xf32>,
      %sub3A_381 = arith.constant 1.000000e+00 : f32
      %sub3A_382 = vector.broadcast %sub3A_381 : f32 to vector<16xf32>
      %sub3A_383 = arith.subf %sub3A_382, %get3A_367 : vector<16xf32>
      %add3A_384 = arith.constant 1.000000e+00 : f32
      %add3A_385 = vector.broadcast %add3A_384 : f32 to vector<16xf32>
      %add3A_386 = arith.addf %add3A_385, %exp3A_357 : vector<16xf32>
      %div3A_387 = arith.divf %sub3A_383, %add3A_386 : vector<16xf32>
      %add3A_388 = arith.addf %get3A_367, %div3A_387 : vector<16xf32>
      %swap3A_389 = arith.constant 0 : i32
      %swap3A_390 = arith.index_cast %swap3A_389 : i32 to index
      %swap3A_391 = arith.index_cast %mul3A_258 : i32 to index
      %swap3A_392 = tpu.vector_load %arg15[%swap3A_390, %swap3A_391] {strides = array<i32>} : memref<1x512xf32, #tpu.memory_space<vmem>>, vector<1x16xf32>,
      %swap3A_393 = vector.shape_cast %swap3A_392 : vector<1x16xf32> to vector<16xf32>
      %swap3A_394 = vector.shape_cast %add3A_388 : vector<16xf32> to vector<1x16xf32>
      tpu.vector_store %arg15[%swap3A_390, %swap3A_391], %swap3A_394 {strides = array<i32>} : memref<1x512xf32, #tpu.memory_space<vmem>>, vector<1x16xf32>,
    }
    %scan3A_148 = arith.constant 12 : i32
    %dma_start3A_149 = arith.constant 0 : i32
    %dma_start3A_150 = arith.constant 0 : i32
    %dma_start3A_151 = tpu.memref_slice %arg15[%dma_start3A_149, %dma_start3A_150] : memref<1x512xf32, #tpu.memory_space<vmem>> -> memref<1x512xf32, #tpu.memory_space<vmem>>
    %dma_start3A_152 = tpu.memref_squeeze %dma_start3A_151 : memref<1x512xf32, #tpu.memory_space<vmem>> -> memref<512xf32, #tpu.memory_space<vmem>>
    %dma_start3A_153 = arith.constant 0 : i32
    %dma_start3A_154 = tpu.memref_slice %dma_start3A_152[%dma_start3A_153] : memref<512xf32, #tpu.memory_space<vmem>> -> memref<384xf32, #tpu.memory_space<vmem>>
    %dma_start3A_155 = tpu.memref_slice %arg8[%mul3A_2] : memref<16384xf32, #tpu.memory_space<hbm>> -> memref<384xf32, #tpu.memory_space<hbm>>
    %dma_start3A_156 = tpu.memref_slice %arg8[%mul3A_2] : memref<16384xf32, #tpu.memory_space<hbm>> -> memref<384xf32, #tpu.memory_space<hbm>>
    %dma_start3A_157 = arith.constant 0 : i32
    %dma_start3A_158 = tpu.memref_slice %arg15[%dma_start3A_149, %dma_start3A_157] : memref<1x512xf32, #tpu.memory_space<vmem>> -> memref<1x512xf32, #tpu.memory_space<vmem>>
    %dma_start3A_159 = tpu.memref_squeeze %dma_start3A_158 : memref<1x512xf32, #tpu.memory_space<vmem>> -> memref<512xf32, #tpu.memory_space<vmem>>
    %dma_start3A_160 = arith.constant 0 : i32
    %dma_start3A_161 = tpu.memref_slice %dma_start3A_159[%dma_start3A_160] : memref<512xf32, #tpu.memory_space<vmem>> -> memref<384xf32, #tpu.memory_space<vmem>>
    tpu.enqueue_dma source(%dma_start3A_161 : memref<384xf32, #tpu.memory_space<vmem>>) target(%dma_start3A_156 : memref<384xf32, #tpu.memory_space<hbm>>) target_semaphore(%arg16 : memref<!tpu.dma_semaphore, #tpu.memory_space<semaphore_mem>>)
    %dma_wait3A_162 = arith.constant 0 : i32
    %dma_wait3A_163 = arith.constant 384 : i32
    %dma_wait3A_164 = tpu.memref_slice %arg11[%dma_wait3A_162, %dma_wait3A_163] : memref<1x512xf32, #tpu.memory_space<vmem>> -> memref<1x128xf32, #tpu.memory_space<vmem>>
    %dma_wait3A_165 = arith.constant 0 : i32
    %dma_wait3A_166 = arith.constant 384 : i32
    %dma_wait3A_167 = tpu.memref_slice %arg9[%dma_wait3A_165, %dma_wait3A_166] : memref<1x512xi32, #tpu.memory_space<vmem>> -> memref<1x128xi32, #tpu.memory_space<vmem>>
    %dma_wait3A_168 = arith.constant 0 : i32
    %dma_wait3A_169 = arith.constant 0 : i32
    %dma_wait3A_170 = tpu.memref_slice %arg4[%dma_wait3A_168, %dma_wait3A_169] : memref<1x1000000xf32, #tpu.memory_space<hbm>> -> memref<1x1000000xf32, #tpu.memory_space<hbm>>
    tpu.wait_indirect_dma semaphore(%arg18 : memref<!tpu.dma_semaphore, #tpu.memory_space<semaphore_mem>>) src(%dma_wait3A_170 : memref<1x1000000xf32, #tpu.memory_space<hbm>>) dst(%dma_wait3A_164 : memref<1x128xf32, #tpu.memory_space<vmem>>)
    %dma_wait3A_171 = arith.constant 0 : i32
    %dma_wait3A_172 = arith.constant 384 : i32
    %dma_wait3A_173 = tpu.memref_slice %arg12[%dma_wait3A_171, %dma_wait3A_172] : memref<1x512xf32, #tpu.memory_space<vmem>> -> memref<1x128xf32, #tpu.memory_space<vmem>>
    %dma_wait3A_174 = arith.constant 0 : i32
    %dma_wait3A_175 = arith.constant 384 : i32
    %dma_wait3A_176 = tpu.memref_slice %arg10[%dma_wait3A_174, %dma_wait3A_175] : memref<1x512xi32, #tpu.memory_space<vmem>> -> memref<1x128xi32, #tpu.memory_space<vmem>>
    %dma_wait3A_177 = arith.constant 0 : i32
    %dma_wait3A_178 = arith.constant 0 : i32
    %dma_wait3A_179 = tpu.memref_slice %arg5[%dma_wait3A_177, %dma_wait3A_178] : memref<1x100000xf32, #tpu.memory_space<hbm>> -> memref<1x100000xf32, #tpu.memory_space<hbm>>
    tpu.wait_indirect_dma semaphore(%arg18 : memref<!tpu.dma_semaphore, #tpu.memory_space<semaphore_mem>>) src(%dma_wait3A_179 : memref<1x100000xf32, #tpu.memory_space<hbm>>) dst(%dma_wait3A_173 : memref<1x128xf32, #tpu.memory_space<vmem>>)
    %dma_wait3A_180 = arith.constant 0 : i32
    %dma_wait3A_181 = arith.constant 384 : i32
    %dma_wait3A_182 = tpu.memref_slice %arg13[%dma_wait3A_180, %dma_wait3A_181] : memref<1x512xf32, #tpu.memory_space<vmem>> -> memref<1x128xf32, #tpu.memory_space<vmem>>
    %dma_wait3A_183 = arith.constant 0 : i32
    %dma_wait3A_184 = arith.constant 384 : i32
    %dma_wait3A_185 = tpu.memref_slice %arg10[%dma_wait3A_183, %dma_wait3A_184] : memref<1x512xi32, #tpu.memory_space<vmem>> -> memref<1x128xi32, #tpu.memory_space<vmem>>
    %dma_wait3A_186 = arith.constant 0 : i32
    %dma_wait3A_187 = arith.constant 0 : i32
    %dma_wait3A_188 = tpu.memref_slice %arg6[%dma_wait3A_186, %dma_wait3A_187] : memref<1x100000xf32, #tpu.memory_space<hbm>> -> memref<1x100000xf32, #tpu.memory_space<hbm>>
    tpu.wait_indirect_dma semaphore(%arg18 : memref<!tpu.dma_semaphore, #tpu.memory_space<semaphore_mem>>) src(%dma_wait3A_188 : memref<1x100000xf32, #tpu.memory_space<hbm>>) dst(%dma_wait3A_182 : memref<1x128xf32, #tpu.memory_space<vmem>>)
    %dma_wait3A_189 = arith.constant 0 : i32
    %dma_wait3A_190 = arith.constant 384 : i32
    %dma_wait3A_191 = tpu.memref_slice %arg14[%dma_wait3A_189, %dma_wait3A_190] : memref<1x512xf32, #tpu.memory_space<vmem>> -> memref<1x128xf32, #tpu.memory_space<vmem>>
    %dma_wait3A_192 = arith.constant 0 : i32
    %dma_wait3A_193 = arith.constant 384 : i32
    %dma_wait3A_194 = tpu.memref_slice %arg10[%dma_wait3A_192, %dma_wait3A_193] : memref<1x512xi32, #tpu.memory_space<vmem>> -> memref<1x128xi32, #tpu.memory_space<vmem>>
    %dma_wait3A_195 = arith.constant 0 : i32
    %dma_wait3A_196 = arith.constant 0 : i32
    %dma_wait3A_197 = tpu.memref_slice %arg7[%dma_wait3A_195, %dma_wait3A_196] : memref<1x100000xf32, #tpu.memory_space<hbm>> -> memref<1x100000xf32, #tpu.memory_space<hbm>>
    tpu.wait_indirect_dma semaphore(%arg18 : memref<!tpu.dma_semaphore, #tpu.memory_space<semaphore_mem>>) src(%dma_wait3A_197 : memref<1x100000xf32, #tpu.memory_space<hbm>>) dst(%dma_wait3A_191 : memref<1x128xf32, #tpu.memory_space<vmem>>)
    %scan3A_198 = arith.constant 0 : i32
    %scan3A_199 = arith.constant 4 : i32
    %scan3A_200 = arith.addi %scan3A_198, %scan3A_199 : i32
    %scan3A_201 = arith.constant 1 : i32
    scf.for %scan3A_244 = %scan3A_198 to %scan3A_200 step %scan3A_201  : i32 {
      %mul3A_245 = arith.constant 1 : i32
      %mul3A_246 = arith.muli %scan3A_244, %mul3A_245 : i32
      %add3A_247 = arith.constant 12 : i32
      %add3A_248 = arith.addi %add3A_247, %mul3A_246 : i32
      %mul3A_249 = arith.constant 2 : i32
      %mul3A_250 = arith.muli %mul3A_249, %add3A_248 : i32
      %mul3A_251 = arith.constant 16 : i32
      %mul3A_252 = arith.muli %mul3A_250, %mul3A_251 : i32
      %mul3A_253 = arith.constant 2 : i32
      %mul3A_254 = arith.muli %mul3A_253, %add3A_248 : i32
      %add3A_255 = arith.constant 1 : i32
      %add3A_256 = arith.addi %mul3A_254, %add3A_255 : i32
      %mul3A_257 = arith.constant 16 : i32
      %mul3A_258 = arith.muli %add3A_256, %mul3A_257 : i32
      %get3A = arith.constant 0 : i32
      %get3A_259 = arith.index_cast %get3A : i32 to index
      %get3A_260 = arith.index_cast %mul3A_252 : i32 to index
      %get3A_261 = tpu.vector_load %arg12[%get3A_259, %get3A_260] {strides = array<i32>} : memref<1x512xf32, #tpu.memory_space<vmem>>, vector<1x16xf32>,
      %get3A_262 = vector.shape_cast %get3A_261 : vector<1x16xf32> to vector<16xf32>
      %get3A_263 = arith.constant 0 : i32
      %get3A_264 = arith.index_cast %get3A_263 : i32 to index
      %get3A_265 = arith.index_cast %mul3A_258 : i32 to index
      %get3A_266 = tpu.vector_load %arg12[%get3A_264, %get3A_265] {strides = array<i32>} : memref<1x512xf32, #tpu.memory_space<vmem>>, vector<1x16xf32>,
      %get3A_267 = vector.shape_cast %get3A_266 : vector<1x16xf32> to vector<16xf32>
      %abs3A = math.absf %get3A_262 : vector<16xf32>
      %neg3A = arith.constant 0.000000e+00 : f32
      %neg3A_268 = vector.broadcast %neg3A : f32 to vector<16xf32>
      %neg3A_269 = arith.subf %neg3A_268, %abs3A : vector<16xf32>
      %exp3A = math.exp %neg3A_269 : vector<16xf32>
      %abs3A_270 = math.absf %get3A_267 : vector<16xf32>
      %neg3A_271 = arith.constant 0.000000e+00 : f32
      %neg3A_272 = vector.broadcast %neg3A_271 : f32 to vector<16xf32>
      %neg3A_273 = arith.subf %neg3A_272, %abs3A_270 : vector<16xf32>
      %exp3A_274 = math.exp %neg3A_273 : vector<16xf32>
      %add3A_275 = arith.constant 2.000000e+00 : f32
      %add3A_276 = vector.broadcast %add3A_275 : f32 to vector<16xf32>
      %add3A_277 = arith.addf %add3A_276, %exp3A : vector<16xf32>
      %div3A = arith.divf %exp3A, %add3A_277 : vector<16xf32>
      %add3A_278 = arith.constant 2.000000e+00 : f32
      %add3A_279 = vector.broadcast %add3A_278 : f32 to vector<16xf32>
      %add3A_280 = arith.addf %add3A_279, %exp3A_274 : vector<16xf32>
      %div3A_281 = arith.divf %exp3A_274, %add3A_280 : vector<16xf32>
      %mul3A_282 = arith.mulf %div3A, %div3A : vector<16xf32>
      %mul3A_283 = arith.mulf %div3A_281, %div3A_281 : vector<16xf32>
      %mul3A_284 = arith.constant 0.142857149 : f32
      %mul3A_285 = vector.broadcast %mul3A_284 : f32 to vector<16xf32>
      %mul3A_286 = arith.mulf %mul3A_282, %mul3A_285 : vector<16xf32>
      %add3A_287 = arith.constant 2.000000e-01 : f32
      %add3A_288 = vector.broadcast %add3A_287 : f32 to vector<16xf32>
      %add3A_289 = arith.addf %add3A_288, %mul3A_286 : vector<16xf32>
      %mul3A_290 = arith.mulf %mul3A_282, %add3A_289 : vector<16xf32>
      %add3A_291 = arith.constant 0.333333343 : f32
      %add3A_292 = vector.broadcast %add3A_291 : f32 to vector<16xf32>
      %add3A_293 = arith.addf %add3A_292, %mul3A_290 : vector<16xf32>
      %mul3A_294 = arith.mulf %mul3A_282, %add3A_293 : vector<16xf32>
      %add3A_295 = arith.constant 1.000000e+00 : f32
      %add3A_296 = vector.broadcast %add3A_295 : f32 to vector<16xf32>
      %add3A_297 = arith.addf %add3A_296, %mul3A_294 : vector<16xf32>
      %mul3A_298 = arith.constant 0.142857149 : f32
      %mul3A_299 = vector.broadcast %mul3A_298 : f32 to vector<16xf32>
      %mul3A_300 = arith.mulf %mul3A_283, %mul3A_299 : vector<16xf32>
      %add3A_301 = arith.constant 2.000000e-01 : f32
      %add3A_302 = vector.broadcast %add3A_301 : f32 to vector<16xf32>
      %add3A_303 = arith.addf %add3A_302, %mul3A_300 : vector<16xf32>
      %mul3A_304 = arith.mulf %mul3A_283, %add3A_303 : vector<16xf32>
      %add3A_305 = arith.constant 0.333333343 : f32
      %add3A_306 = vector.broadcast %add3A_305 : f32 to vector<16xf32>
      %add3A_307 = arith.addf %add3A_306, %mul3A_304 : vector<16xf32>
      %mul3A_308 = arith.mulf %mul3A_283, %add3A_307 : vector<16xf32>
      %add3A_309 = arith.constant 1.000000e+00 : f32
      %add3A_310 = vector.broadcast %add3A_309 : f32 to vector<16xf32>
      %add3A_311 = arith.addf %add3A_310, %mul3A_308 : vector<16xf32>
      %max3A = arith.constant 0.000000e+00 : f32
      %max3A_312 = vector.broadcast %max3A : f32 to vector<16xf32>
      %max3A_313 = arith.maximumf %get3A_262, %max3A_312 : vector<16xf32>
      %mul3A_314 = arith.constant 2.000000e+00 : f32
      %mul3A_315 = vector.broadcast %mul3A_314 : f32 to vector<16xf32>
      %mul3A_316 = arith.mulf %mul3A_315, %div3A : vector<16xf32>
      %mul3A_317 = arith.mulf %mul3A_316, %add3A_297 : vector<16xf32>
      %add3A_318 = arith.addf %max3A_313, %mul3A_317 : vector<16xf32>
      %max3A_319 = arith.constant 0.000000e+00 : f32
      %max3A_320 = vector.broadcast %max3A_319 : f32 to vector<16xf32>
      %max3A_321 = arith.maximumf %get3A_267, %max3A_320 : vector<16xf32>
      %mul3A_322 = arith.constant 2.000000e+00 : f32
      %mul3A_323 = vector.broadcast %mul3A_322 : f32 to vector<16xf32>
      %mul3A_324 = arith.mulf %mul3A_323, %div3A_281 : vector<16xf32>
      %mul3A_325 = arith.mulf %mul3A_324, %add3A_311 : vector<16xf32>
      %add3A_326 = arith.addf %max3A_321, %mul3A_325 : vector<16xf32>
      %get3A_327 = arith.constant 0 : i32
      %get3A_328 = arith.index_cast %get3A_327 : i32 to index
      %get3A_329 = arith.index_cast %mul3A_252 : i32 to index
      %get3A_330 = tpu.vector_load %arg11[%get3A_328, %get3A_329] {strides = array<i32>} : memref<1x512xf32, #tpu.memory_space<vmem>>, vector<1x16xf32>,
      %get3A_331 = vector.shape_cast %get3A_330 : vector<1x16xf32> to vector<16xf32>
      %get3A_332 = arith.constant 0 : i32
      %get3A_333 = arith.index_cast %get3A_332 : i32 to index
      %get3A_334 = arith.index_cast %mul3A_252 : i32 to index
      %get3A_335 = tpu.vector_load %arg13[%get3A_333, %get3A_334] {strides = array<i32>} : memref<1x512xf32, #tpu.memory_space<vmem>>, vector<1x16xf32>,
      %get3A_336 = vector.shape_cast %get3A_335 : vector<1x16xf32> to vector<16xf32>
      %sub3A = arith.subf %get3A_331, %get3A_336 : vector<16xf32>
      %get3A_337 = arith.constant 0 : i32
      %get3A_338 = arith.index_cast %get3A_337 : i32 to index
      %get3A_339 = arith.index_cast %mul3A_258 : i32 to index
      %get3A_340 = tpu.vector_load %arg11[%get3A_338, %get3A_339] {strides = array<i32>} : memref<1x512xf32, #tpu.memory_space<vmem>>, vector<1x16xf32>,
      %get3A_341 = vector.shape_cast %get3A_340 : vector<1x16xf32> to vector<16xf32>
      %get3A_342 = arith.constant 0 : i32
      %get3A_343 = arith.index_cast %get3A_342 : i32 to index
      %get3A_344 = arith.index_cast %mul3A_258 : i32 to index
      %get3A_345 = tpu.vector_load %arg13[%get3A_343, %get3A_344] {strides = array<i32>} : memref<1x512xf32, #tpu.memory_space<vmem>>, vector<1x16xf32>,
      %get3A_346 = vector.shape_cast %get3A_345 : vector<1x16xf32> to vector<16xf32>
      %sub3A_347 = arith.subf %get3A_341, %get3A_346 : vector<16xf32>
      %mul3A_348 = arith.constant -1.702000e+00 : f32
      %mul3A_349 = vector.broadcast %mul3A_348 : f32 to vector<16xf32>
      %mul3A_350 = arith.mulf %mul3A_349, %add3A_318 : vector<16xf32>
      %mul3A_351 = arith.mulf %mul3A_350, %sub3A : vector<16xf32>
      %exp3A_352 = math.exp %mul3A_351 : vector<16xf32>
      %mul3A_353 = arith.constant -1.702000e+00 : f32
      %mul3A_354 = vector.broadcast %mul3A_353 : f32 to vector<16xf32>
      %mul3A_355 = arith.mulf %mul3A_354, %add3A_326 : vector<16xf32>
      %mul3A_356 = arith.mulf %mul3A_355, %sub3A_347 : vector<16xf32>
      %exp3A_357 = math.exp %mul3A_356 : vector<16xf32>
      %get3A_358 = arith.constant 0 : i32
      %get3A_359 = arith.index_cast %get3A_358 : i32 to index
      %get3A_360 = arith.index_cast %mul3A_252 : i32 to index
      %get3A_361 = tpu.vector_load %arg14[%get3A_359, %get3A_360] {strides = array<i32>} : memref<1x512xf32, #tpu.memory_space<vmem>>, vector<1x16xf32>,
      %get3A_362 = vector.shape_cast %get3A_361 : vector<1x16xf32> to vector<16xf32>
      %get3A_363 = arith.constant 0 : i32
      %get3A_364 = arith.index_cast %get3A_363 : i32 to index
      %get3A_365 = arith.index_cast %mul3A_258 : i32 to index
      %get3A_366 = tpu.vector_load %arg14[%get3A_364, %get3A_365] {strides = array<i32>} : memref<1x512xf32, #tpu.memory_space<vmem>>, vector<1x16xf32>,
      %get3A_367 = vector.shape_cast %get3A_366 : vector<1x16xf32> to vector<16xf32>
      %sub3A_368 = arith.constant 1.000000e+00 : f32
      %sub3A_369 = vector.broadcast %sub3A_368 : f32 to vector<16xf32>
      %sub3A_370 = arith.subf %sub3A_369, %get3A_362 : vector<16xf32>
      %add3A_371 = arith.constant 1.000000e+00 : f32
      %add3A_372 = vector.broadcast %add3A_371 : f32 to vector<16xf32>
      %add3A_373 = arith.addf %add3A_372, %exp3A_352 : vector<16xf32>
      %div3A_374 = arith.divf %sub3A_370, %add3A_373 : vector<16xf32>
      %add3A_375 = arith.addf %get3A_362, %div3A_374 : vector<16xf32>
      %swap3A = arith.constant 0 : i32
      %swap3A_376 = arith.index_cast %swap3A : i32 to index
      %swap3A_377 = arith.index_cast %mul3A_252 : i32 to index
      %swap3A_378 = tpu.vector_load %arg15[%swap3A_376, %swap3A_377] {strides = array<i32>} : memref<1x512xf32, #tpu.memory_space<vmem>>, vector<1x16xf32>,
      %swap3A_379 = vector.shape_cast %swap3A_378 : vector<1x16xf32> to vector<16xf32>
      %swap3A_380 = vector.shape_cast %add3A_375 : vector<16xf32> to vector<1x16xf32>
      tpu.vector_store %arg15[%swap3A_376, %swap3A_377], %swap3A_380 {strides = array<i32>} : memref<1x512xf32, #tpu.memory_space<vmem>>, vector<1x16xf32>,
      %sub3A_381 = arith.constant 1.000000e+00 : f32
      %sub3A_382 = vector.broadcast %sub3A_381 : f32 to vector<16xf32>
      %sub3A_383 = arith.subf %sub3A_382, %get3A_367 : vector<16xf32>
      %add3A_384 = arith.constant 1.000000e+00 : f32
      %add3A_385 = vector.broadcast %add3A_384 : f32 to vector<16xf32>
      %add3A_386 = arith.addf %add3A_385, %exp3A_357 : vector<16xf32>
      %div3A_387 = arith.divf %sub3A_383, %add3A_386 : vector<16xf32>
      %add3A_388 = arith.addf %get3A_367, %div3A_387 : vector<16xf32>
      %swap3A_389 = arith.constant 0 : i32
      %swap3A_390 = arith.index_cast %swap3A_389 : i32 to index
      %swap3A_391 = arith.index_cast %mul3A_258 : i32 to index
      %swap3A_392 = tpu.vector_load %arg15[%swap3A_390, %swap3A_391] {strides = array<i32>} : memref<1x512xf32, #tpu.memory_space<vmem>>, vector<1x16xf32>,
      %swap3A_393 = vector.shape_cast %swap3A_392 : vector<1x16xf32> to vector<16xf32>
      %swap3A_394 = vector.shape_cast %add3A_388 : vector<16xf32> to vector<1x16xf32>
      tpu.vector_store %arg15[%swap3A_390, %swap3A_391], %swap3A_394 {strides = array<i32>} : memref<1x512xf32, #tpu.memory_space<vmem>>, vector<1x16xf32>,
    }
    %scan3A_202 = arith.constant 4 : i32
    %add3A_203 = arith.constant 384 : i32
    %add3A_204 = arith.addi %mul3A_2, %add3A_203 : i32
    %dma_start3A_205 = arith.constant 0 : i32
    %dma_start3A_206 = arith.constant 0 : i32
    %dma_start3A_207 = tpu.memref_slice %arg15[%dma_start3A_205, %dma_start3A_206] : memref<1x512xf32, #tpu.memory_space<vmem>> -> memref<1x512xf32, #tpu.memory_space<vmem>>
    %dma_start3A_208 = tpu.memref_squeeze %dma_start3A_207 : memref<1x512xf32, #tpu.memory_space<vmem>> -> memref<512xf32, #tpu.memory_space<vmem>>
    %dma_start3A_209 = arith.constant 384 : i32
    %dma_start3A_210 = tpu.memref_slice %dma_start3A_208[%dma_start3A_209] : memref<512xf32, #tpu.memory_space<vmem>> -> memref<128xf32, #tpu.memory_space<vmem>>
    %dma_start3A_211 = tpu.memref_slice %arg8[%add3A_204] : memref<16384xf32, #tpu.memory_space<hbm>> -> memref<128xf32, #tpu.memory_space<hbm>>
    %dma_start3A_212 = tpu.memref_slice %arg8[%add3A_204] : memref<16384xf32, #tpu.memory_space<hbm>> -> memref<128xf32, #tpu.memory_space<hbm>>
    %dma_start3A_213 = arith.constant 0 : i32
    %dma_start3A_214 = tpu.memref_slice %arg15[%dma_start3A_205, %dma_start3A_213] : memref<1x512xf32, #tpu.memory_space<vmem>> -> memref<1x512xf32, #tpu.memory_space<vmem>>
    %dma_start3A_215 = tpu.memref_squeeze %dma_start3A_214 : memref<1x512xf32, #tpu.memory_space<vmem>> -> memref<512xf32, #tpu.memory_space<vmem>>
    %dma_start3A_216 = arith.constant 384 : i32
    %dma_start3A_217 = tpu.memref_slice %dma_start3A_215[%dma_start3A_216] : memref<512xf32, #tpu.memory_space<vmem>> -> memref<128xf32, #tpu.memory_space<vmem>>
    tpu.enqueue_dma source(%dma_start3A_217 : memref<128xf32, #tpu.memory_space<vmem>>) target(%dma_start3A_212 : memref<128xf32, #tpu.memory_space<hbm>>) target_semaphore(%arg16 : memref<!tpu.dma_semaphore, #tpu.memory_space<semaphore_mem>>)
    %dma_wait3A_218 = arith.constant 0 : i32
    %dma_wait3A_219 = arith.constant 0 : i32
    %dma_wait3A_220 = tpu.memref_slice %arg15[%dma_wait3A_218, %dma_wait3A_219] : memref<1x512xf32, #tpu.memory_space<vmem>> -> memref<1x512xf32, #tpu.memory_space<vmem>>
    %dma_wait3A_221 = tpu.memref_squeeze %dma_wait3A_220 : memref<1x512xf32, #tpu.memory_space<vmem>> -> memref<512xf32, #tpu.memory_space<vmem>>
    %dma_wait3A_222 = arith.constant 0 : i32
    %dma_wait3A_223 = tpu.memref_slice %dma_wait3A_221[%dma_wait3A_222] : memref<512xf32, #tpu.memory_space<vmem>> -> memref<384xf32, #tpu.memory_space<vmem>>
    %dma_wait3A_224 = tpu.memref_slice %arg8[%mul3A_2] : memref<16384xf32, #tpu.memory_space<hbm>> -> memref<384xf32, #tpu.memory_space<hbm>>
    %dma_wait3A_225 = tpu.memref_slice %arg8[%mul3A_2] : memref<16384xf32, #tpu.memory_space<hbm>> -> memref<384xf32, #tpu.memory_space<hbm>>
    %dma_wait3A_226 = arith.constant 0 : i32
    %dma_wait3A_227 = tpu.memref_slice %arg15[%dma_wait3A_218, %dma_wait3A_226] : memref<1x512xf32, #tpu.memory_space<vmem>> -> memref<1x512xf32, #tpu.memory_space<vmem>>
    %dma_wait3A_228 = tpu.memref_squeeze %dma_wait3A_227 : memref<1x512xf32, #tpu.memory_space<vmem>> -> memref<512xf32, #tpu.memory_space<vmem>>
    %dma_wait3A_229 = arith.constant 0 : i32
    %dma_wait3A_230 = tpu.memref_slice %dma_wait3A_228[%dma_wait3A_229] : memref<512xf32, #tpu.memory_space<vmem>> -> memref<384xf32, #tpu.memory_space<vmem>>
    tpu.wait_dma2 semaphore(%arg16 : memref<!tpu.dma_semaphore, #tpu.memory_space<semaphore_mem>>) src(%dma_wait3A_230 : memref<384xf32, #tpu.memory_space<vmem>>) dst(%dma_wait3A_225 : memref<384xf32, #tpu.memory_space<hbm>>)
    %dma_wait3A_231 = arith.constant 0 : i32
    %dma_wait3A_232 = arith.constant 0 : i32
    %dma_wait3A_233 = tpu.memref_slice %arg15[%dma_wait3A_231, %dma_wait3A_232] : memref<1x512xf32, #tpu.memory_space<vmem>> -> memref<1x512xf32, #tpu.memory_space<vmem>>
    %dma_wait3A_234 = tpu.memref_squeeze %dma_wait3A_233 : memref<1x512xf32, #tpu.memory_space<vmem>> -> memref<512xf32, #tpu.memory_space<vmem>>
    %dma_wait3A_235 = arith.constant 384 : i32
    %dma_wait3A_236 = tpu.memref_slice %dma_wait3A_234[%dma_wait3A_235] : memref<512xf32, #tpu.memory_space<vmem>> -> memref<128xf32, #tpu.memory_space<vmem>>
    %dma_wait3A_237 = tpu.memref_slice %arg8[%add3A_204] : memref<16384xf32, #tpu.memory_space<hbm>> -> memref<128xf32, #tpu.memory_space<hbm>>
    %dma_wait3A_238 = tpu.memref_slice %arg8[%add3A_204] : memref<16384xf32, #tpu.memory_space<hbm>> -> memref<128xf32, #tpu.memory_space<hbm>>
    %dma_wait3A_239 = arith.constant 0 : i32
    %dma_wait3A_240 = tpu.memref_slice %arg15[%dma_wait3A_231, %dma_wait3A_239] : memref<1x512xf32, #tpu.memory_space<vmem>> -> memref<1x512xf32, #tpu.memory_space<vmem>>
    %dma_wait3A_241 = tpu.memref_squeeze %dma_wait3A_240 : memref<1x512xf32, #tpu.memory_space<vmem>> -> memref<512xf32, #tpu.memory_space<vmem>>
    %dma_wait3A_242 = arith.constant 384 : i32
    %dma_wait3A_243 = tpu.memref_slice %dma_wait3A_241[%dma_wait3A_242] : memref<512xf32, #tpu.memory_space<vmem>> -> memref<128xf32, #tpu.memory_space<vmem>>
    tpu.wait_dma2 semaphore(%arg16 : memref<!tpu.dma_semaphore, #tpu.memory_space<semaphore_mem>>) src(%dma_wait3A_243 : memref<128xf32, #tpu.memory_space<vmem>>) dst(%dma_wait3A_238 : memref<128xf32, #tpu.memory_space<hbm>>)
    return
  }
}

</mosaic_0001>

<sc_bundles>
// kernel: kernel.3.cloned.1.call-start
scs
__scs_entry_jumppad:
0x0: {  	(pc) =	sbr.rel $0x88, $3  }
0x1: {  	(tag) =	ssettag $0x0;
	lr =	simm.s32 $0x1  }
0x2: {  	[smem:$0x3F9B] =	sst lr;
	_ =	strace $0xD0000000  }
0x3: {  	_ = 	snop  }
0x4: {  	_ = 	snop  }
0x5: {  	_ = 	snop  }
0x6: {  	_ = 	snop  }
0x7: {  	_ = 	snop  }
__scs_overlays_trampoline_lowered:
0x8: {  	[smem:$0x3FAA] =	sst s0  }
0x9: {  	[smem:$0x3FAB] =	sst s1  }
0xa: {  	[smem:$0x3FAC] =	sst s2  }
0xb: {  	[smem:$0x3FAD] =	sst s3  }
0xc: {  	[smem:$0x3FAE] =	sst s4  }
0xd: {  	[smem:$0x3FAF] =	sst s5  }
0xe: {  	[smem:$0x3FB0] =	sst s6  }
0xf: {  	[smem:$0x3FB1] =	sst s7  }
0x10: {  	[smem:$0x3FB2] =	sst s8  }
0x11: {  	[smem:$0x3FB3] =	sst s9;
	s0 =	simm.s32 @!p0 $0x0  }
0x12: {  	s1 =	sld [smem:$0x3F99];
	s0 =	simm.s32 @p0 $0x1  }
0x13: {  	[smem:$0x3FB4] =	sst s0;
	s0 =	simm.s32 @!p1 $0x0  }
0x14: {  	s2 =	sld [smem:$0x3F98];
	s0 =	simm.s32 @p1 $0x1  }
0x15: {  	[smem:$0x3FB5] =	sst s0;
	s0 =	simm.s32 @!p2 $0x0  }
0x16: {  	s3 =	sld [smem:$0x3FDB];
	s0 =	simm.s32 @p2 $0x1  }
0x17: {  	s4 =	simm.s32 $0x1BF5;
	[smem:$0x3FB7] =	sst s0  }
0x18: {  	s0 =	sld [smem:$0x3F9A];
	_ =	swait.ge [sflag:s4], $0x0  }
0x19: {  	s7 =	sld [smem:$0x3F9B]  }
0x1a: {  	s8 =	sadd.s32 $0xFFFFE003, lr  }
0x1b: {  	s9 =	sadd.s32 $0xFFFFFEF7, lr;
	s5 =	simm.s32 $0xFFFFFFFF;
	p2 =	slt.u32 s8, $0xFFFFF086  }
0x1c: {  	p1 =	slt.u32 s9, $0xF7A;
	s5 =	simm.s32 @!p2 $0x0  }
0x1d: {  	s5 =	simm.s32 @p1 $0x1;
	p0 =	seq.s32 s7, s2  }
0x1e: {  	s7 =	smul.u32 @!p0 $0xF7A, s2;
	p2 =	seq.s32 @!p0 s5, $0x0  }
0x1f: {  	s9 =	smul.u32 $0xF7A, s1;
	s8 =	simm.s32 @!p0 $0x1BF5;
	p2 =	por !p2, p0  }
0x20: {  	[sflag:s8] =	ssyncset.s32 @!p0 $0xFFFFF086;
	s6 =	sadd.s32 @!p0 s3, s7;
	s7 =	simm.s32 @!p0 $0x108  }
0x21: {  	s3 =	sadd.s32 s3, s9;
	s6 =	sadd.s32 @!p0 $0x88, s6;
	s7 =	simm.s32 @p2 $0x1082  }
0x22: {  	[simem:s7], [sflag:s8] =	dma.local @!p0 [hbm:s6], $0xF7A  }
0x23: {  	s9 =	sor.u32 $0xD0000000, s2;
	s6 =	simm.s32 $0x108;
	_ =	swait.ge @!p0 [sflag:s8], $0x0  }
0x24: {  	s3 =	sadd.s32 $0x88, s3;
	s6 =	simm.s32 @!p1 $0x1082;
	[sflag:s4] =	ssyncset.s32 $0xFFFFF086  }
0x25: {  	[simem:s6], [sflag:s4] =	dma.local [hbm:s3], $0xF7A  }
0x26: {  	[smem:$0x3F9B] =	sst s1;
	(tag) =	ssettag s2;
	_ =	strace s9  }
0x27: {  	s1 =	sld [smem:$0x3FAB]  }
0x28: {  	s2 =	sld [smem:$0x3FAC]  }
0x29: {  	s4 =	sld [smem:$0x3FAE]  }
0x2a: {  	p0 =	seq.s32 s5, $0x0;
	s5 =	sld [smem:$0x3FAF]  }
0x2b: {  	s6 =	sld [smem:$0x3FB0]  }
0x2c: {  	s7 =	sld [smem:$0x3FB1]  }
0x2d: {  	s3 =	simm.s32 $0x108;
	s8 =	sld [smem:$0x3FB2]  }
0x2e: {  	s3 =	simm.s32 @!p0 $0x1082;
	s9 =	sld [smem:$0x3FB3]  }
0x2f: {  	lr =	sadd.s32 s0, s3;
	s0 =	sld [smem:$0x3FAA]  }
0x30: {  	s3 =	sld [smem:$0x3FAD]  }
0x31: {  	[smem:$0x3FB6] =	sst s10  }
0x32: {  	s10 =	sld [smem:$0x3FB4];
	_ =	sdelay $0x3  }
0x33: {  	p0 =	seq.s32 s10, $0x1;
	s10 =	sld [smem:$0x3FB6];
	_ =	sdelay $0x3  }
0x34: {  	[smem:$0x3FB6] =	sst s10  }
0x35: {  	s10 =	sld [smem:$0x3FB5];
	_ =	sdelay $0x3  }
0x36: {  	p1 =	seq.s32 s10, $0x1;
	s10 =	sld [smem:$0x3FB6];
	_ =	sdelay $0x3  }
0x37: {  	[smem:$0x3FB6] =	sst s10  }
0x38: {  	s10 =	sld [smem:$0x3FB7]  }
0x39: {  	_ = 	snop;
	(pc) =	sbr.ind lr, $3  }
0x3a: {  	_ = 	snop  }
0x3b: {  	_ = 	snop  }
0x3c: {  	p2 =	seq.s32 s10, $0x1;
	s10 =	sld [smem:$0x3FB6]  }
0x3d: {  	_ =	shalt  }
0x3e: {  	_ =	shalt  }
0x3f: {  	_ =	shalt  }
0x40: {  	_ =	shalt  }
0x41: {  	_ =	shalt  }
0x42: {  	_ =	shalt  }
0x43: {  	_ =	shalt  }
0x44: {  	_ =	shalt  }
0x45: {  	_ =	shalt  }
0x46: {  	_ =	shalt  }
0x47: {  	_ =	shalt  }
0x48: {  	_ =	shalt  }
0x49: {  	_ =	shalt  }
0x4a: {  	_ =	shalt  }
0x4b: {  	_ =	shalt  }
0x4c: {  	_ =	shalt  }
0x4d: {  	_ =	shalt  }
0x4e: {  	_ =	shalt  }
0x4f: {  	_ =	shalt  }
0x50: {  	_ =	shalt  }
0x51: {  	_ =	shalt  }
0x52: {  	_ =	shalt  }
0x53: {  	_ =	shalt  }
0x54: {  	_ =	shalt  }
0x55: {  	_ =	shalt  }
0x56: {  	_ =	shalt  }
0x57: {  	_ =	shalt  }
0x58: {  	_ =	shalt  }
0x59: {  	_ =	shalt  }
0x5a: {  	_ =	shalt  }
0x5b: {  	_ =	shalt  }
0x5c: {  	_ =	shalt  }
0x5d: {  	_ =	shalt  }
0x5e: {  	_ =	shalt  }
0x5f: {  	_ =	shalt  }
0x60: {  	_ =	shalt  }
0x61: {  	_ =	shalt  }
0x62: {  	_ =	shalt  }
0x63: {  	_ =	shalt  }
0x64: {  	_ =	shalt  }
0x65: {  	_ =	shalt  }
0x66: {  	_ =	shalt  }
0x67: {  	_ =	shalt  }
0x68: {  	_ =	shalt  }
0x69: {  	_ =	shalt  }
0x6a: {  	_ =	shalt  }
0x6b: {  	_ =	shalt  }
0x6c: {  	_ =	shalt  }
0x6d: {  	_ =	shalt  }
0x6e: {  	_ =	shalt  }
0x6f: {  	_ =	shalt  }
0x70: {  	_ =	shalt  }
0x71: {  	_ =	shalt  }
0x72: {  	_ =	shalt  }
0x73: {  	_ =	shalt  }
0x74: {  	_ =	shalt  }
0x75: {  	_ =	shalt  }
0x76: {  	_ =	shalt  }
0x77: {  	_ =	shalt  }
0x78: {  	_ =	shalt  }
0x79: {  	_ =	shalt  }
0x7a: {  	_ =	shalt  }
0x7b: {  	_ =	shalt  }
0x7c: {  	_ =	shalt  }
0x7d: {  	_ =	shalt  }
0x7e: {  	_ =	shalt  }
0x7f: {  	_ =	shalt  }
0x80: {  	_ =	shalt  }
0x81: {  	_ =	shalt  }
0x82: {  	_ =	shalt  }
0x83: {  	_ =	shalt  }
0x84: {  	_ =	shalt  }
0x85: {  	_ =	shalt  }
0x86: {  	_ =	shalt  }
0x87: {  	_ =	shalt  }
.Lfunc_end0:
.L_simem_size_0:
called_computation_lowered:
.L_overlay_start_0:
0x88: {  	s2 =	sld [smem:$0x3FD9]  }
0x89: {  	s3 =	sld [smem:$0x3FFE];
	_ =	sdelay $0x1  }
0x8a: {  	s1 =	srdreg.scid  }
0x8b: {  	s0 =	sand.u32 $0x1, s1  }
0x8c: {  	s18 =	sshll.u32 s0, $0xA;
	s2 =	sadd.s32 s3, s2  }
0x8d: {  	s2 =	sadd.s32 s2, s18  }
0x8e: {  	[smem:$0x3FC2] =	sst s2  }
0x8f: {  	_ = 	snop  }
0x90: {  	s2 =	sld [smem:$0x3FC9]  }
0x91: {  	s19 =	sld [smem:$0x3FC8]  }
0x92: {  	s4 =	sld [smem:$0x3FC7]  }
0x93: {  	s5 =	sld [smem:$0x3FC6]  }
0x94: {  	s6 =	sld [smem:$0x3FC5]  }
0x95: {  	s7 =	sld [smem:$0x3FC4]  }
0x96: {  	s8 =	sld [smem:$0x3FD0];
	(tm) =	ssettm $0x1  }
0x97: {  	s9 =	sld [smem:$0x3FFB];
	_ =	sdelay $0x3  }
0x98: {  	_ =	strace s9  }
0x99: {  	s9 =	sld [smem:$0x3FFC];
	_ =	sdelay $0x3  }
0x9a: {  	_ =	strace s9  }
0x9b: {  	s9 =	sld [smem:$0x3FFD];
	_ =	sdelay $0x3  }
0x9c: {  	_ =	strace s9  }
0x9d: {  	_ =	strace $0x8FFFFFFF  }
0x9e: {  	s20 =	sld [smem:$0x3FDB];
	_ =	sdelay $0x1  }
0x9f: {  	s10 =	simm.s32 $_scs_section_size  }
0xa0: {  	s11 =	simm.s32 $_size__tile_overlayer_lowered;
	s12 =	simm.s32 $_tile_overlayer_lowered  }
0xa1: {  	s23 =	simm.s32 $0x1BFF;
	s22 =	sshll.u32 s12, $0x1;
	s9 =	sadd.s32 s10, s20  }
0xa2: {  	s13 =	simm.s32 $0x0;
	s21 =	sshll.u32 s11, $0x1;
	s11 =	sadd.s32 s22, s9  }
0xa3: {  	[timem:s13], [sflag:s23] =	dma.local [hbm:s11], s21  }
0xa4: {  	_ =	swait.ge [sflag:s23], s21  }
0xa5: {  	s10 =	ssub.s32 $0x0, s21;
	[sflag:s23] =	ssyncset.done $0x0  }
0xa6: {  	[sflag:s23] =	ssyncadd.s32 s10;
	_ =	sdelay $0x1  }
0xa7: {  	s24 =	simm.s32 $0x1B8B  }
0xa8: {  	_ =	swait.ge [sflag:s24], $0x1  }
0xa9: {  	[sflag:s24] =	ssyncset.done $0x0  }
0xaa: {  	s25 =	simm.s32 $0x1B8E;
	[sflag:s24] =	ssyncadd.s32 $0xFFFFFFFF  }
0xab: {  	s26 =	simm.s32 $execute0_lowered;
	[smem:$0x3FD2] =	sst s25  }
0xac: {  	s10 =	sshll.u32 s26, $0x1;
	_ =	strace $0x80000046;
	[dreg:$0x1] =	wrdreg $0xFFFFFFFF  }
0xad: {  	s28 =	simm.s32 $_size_execute0_lowered;
	s9 =	sadd.s32 s9, s10;
	[dreg:$0x0] =	wrdreg $0x0  }
0xae: {  	s10 =	sshll.u32 s28, $0x1;
	[dreg:$0x2] =	wrdreg s9  }
0xaf: {  	[dreg:$0x3] =	wrdreg s10  }
0xb0: {  	[dreg:$0x4] =	wrdreg $0xC0  }
0xb1: {  	_ =	task [dreg:s13], $0x5FFFF  }
0xb2: {  	[dreg:$0x1] =	wrdreg $0xFFFFFFFF  }
0xb3: {  	[dreg:$0x0] =	wrdreg $0x60  }
0xb4: {  	[dreg:$0x2] =	wrdreg s2  }
0xb5: {  	[dreg:$0x3] =	wrdreg s19  }
0xb6: {  	[dreg:$0x4] =	wrdreg s4  }
0xb7: {  	[dreg:$0x5] =	wrdreg s5  }
0xb8: {  	[dreg:$0x6] =	wrdreg s6  }
0xb9: {  	[dreg:$0x7] =	wrdreg s7  }
0xba: {  	[dreg:$0x8] =	wrdreg s8  }
0xbb: {  	[dreg:$0x9] =	wrdreg $0x9  }
0xbc: {  	_ =	task.clear_ibuf [dreg:s13], $0xAFFFF;
	_ =	strace $0x90000046  }
0xbd: {  	s29 =	simm.s32 $0x9;
	_ =	strace $0x80000048  }
0xbe: {  	_ =	swait.ge [sflag:s29], $0x1  }
0xbf: {  	[sflag:s29] =	ssyncadd.s32 $0xFFFFFFFF  }
0xc0: {  	_ =	strace $0x90000048  }
0xc1: {  	_ =	sfence  }
0xc2: {  	s30 =	sld [smem:$0x0];
	_ =	sdelay $0x2  }
0xc3: {  	s31 =	sshll.u32 s1, $0xD;
	s1 =	sshrl.u32 s1, $0x2  }
0xc4: {  	s3 =	sand.u32 $0x4000, s31;
	s1 =	sadd.s32 s1, s30  }
0xc5: {  	s0 =	sor.u32 s3, s0;
	s1 =	sshll.u32 s1, $0x11  }
0xc6: {  	s0 =	sor.u32 s1, s0  }
0xc7: {  	s0 =	sadd.s32 $0x8F2B, s0  }
0xc8: {  	[sflag:s0] =	ssyncadd.remote.s32 $0x1  }
0xc9: {  	_ =	sfence.sel $0xFFFF  }
0xca: {  	[dreg:$0x0] =	wrdreg $0xFFFFFFFF;
	(pc) =	sbr.abs _section_cstart, $3  }
0xcb: {  	[dreg:$0x1] =	wrdreg $0xFFFFFFFF  }
0xcc: {  	_ =	task.clear_ibuf [dreg:s13], $0x2FFFF;
	_ =	strace $0x9FFFFFFF  }
0xcd: {  	(tm) =	ssettm $0x7FFFFFFF  }
tec
execute0_lowered:
.L_overlay_start_1:
0x0: {  	(tag) =	ssettag $0x1  }
0x1: {  	s0 =	rddreg [dreg:$0x0]  }
0x2: {  	s5 =	rddreg [dreg:$0x1]  }
0x3: {  	s1 =	rddreg [dreg:$0x2]  }
0x4: {  	s2 =	rddreg [dreg:$0x3]  }
0x5: {  	s3 =	rddreg [dreg:$0x4]  }
0x6: {  	s4 =	rddreg [dreg:$0x5]  }
0x7: {  	s8 =	rddreg [dreg:$0x6];
	s6 =	simm.s32 $0x0  }
0x8: {  	s7 =	srdreg.scid;
	s10 =	stileid.u32;
	s12 =	simm.s32 $0x200  }
0x9: {  	s13 =	simm.s32 $0x1;
	s14 =	simm.s32 $0x180;
	s16 =	simm.s32 $0x80  }
0xa: {  	s20 =	simm.s32 $0xA00;
	s21 =	simm.s32 $0x380;
	s22 =	simm.s32 $0x780  }
0xb: {  	s23 =	simm.s32 $0x980;
	s24 =	simm.s32 $0xB80;
	s25 =	simm.s32 $0x2  }
0xc: {  	s26 =	simm.s32 $0xC00;
	s28 =	simm.s32 $0x3;
	s29 =	simm.s32 $0xD80  }
0xd: {  	s30 =	simm.s32 $0x0;
	[smem:$0x7FF] =	sst s6;
	s7 =	sand.u32 $0x1, s7  }
0xe: {  	s10 =	sshll.u32 s10, $0x7;
	s9 =	ssub.s32 $0x2, s7;
	s7 =	sshll.u32 s7, $0x6  }
0xf: {  	_ =	strace $0x80000047;
	s11 =	sshrl.u32 s9, $0x1;
	s10 =	sor.u32 s7, s10  }
0x10: {  	s11 =	ssub.s32 s9, s11;
	s7 =	sadd.s32 s0, s10;
	s8 =	sadd.s32 s8, s10  }
0x11: {  	s9 =	sadd.s32 s5, s10;
	s10 =	sadd.s32 $0x30, s8;
	s11 =	smax.u32 s11, $0x1  }
.LBB2_1:
0x12: {  	[tilespmem:s6], [sflag:$0x1] =	stream.linear.gather [hbm4b:s7+s6], $0x200, $0x38;
	[tilespmem:$0xE00] =	vst v63  }
0x13: {  	_ = 	snop  }
0x14: {  	[tilespmem:s12], [sflag:$0x1] =	stream.linear.gather [hbm4b:s9+s6], $0x200, $0x38;
	[tilespmem:$0xE00] =	vst v63  }
0x15: {  	_ =	swait.ge [sflag:s13], $0x200  }
0x16: {  	[sflag:s13] =	ssyncset.done $0x0  }
0x17: {  	s0 =	simm.s32 $0x400;
	[sflag:s13] =	ssyncadd.s32 $0xFFFFFE00  }
0x18: {  	[tilespmem:s0], [sflag:$0x2] =	stream.indirect.gather [hbm4b:s1+s14], $0x1, s6, s14, $0xb8;
	[tilespmem:$0xE00] =	vst v63  }
0x19: {  	s17 =	simm.s32 $0x580  }
0x1a: {  	[tilespmem:s17], [sflag:$0x3] =	stream.indirect.gather [hbm4b:s1+s16], $0x1, s14, s16, $0xb8;
	[tilespmem:$0xE00] =	vst v63  }
0x1b: {  	_ =	swait.ge [sflag:s13], $0x200  }
0x1c: {  	[sflag:s13] =	ssyncset.done $0x0  }
0x1d: {  	s18 =	simm.s32 $0x600;
	[sflag:s13] =	ssyncadd.s32 $0xFFFFFE00  }
0x1e: {  	[tilespmem:s18], [sflag:$0x2] =	stream.indirect.gather [hbm4b:s2+s14], $0x1, s12, s14, $0xb8;
	[tilespmem:$0xE00] =	vst v63  }
0x1f: {  	s19 =	simm.s32 $0x800  }
0x20: {  	[tilespmem:s19], [sflag:$0x2] =	stream.indirect.gather [hbm4b:s3+s14], $0x1, s12, s14, $0xb8;
	[tilespmem:$0xE00] =	vst v63  }
0x21: {  	_ = 	snop  }
0x22: {  	[tilespmem:s20], [sflag:$0x2] =	stream.indirect.gather [hbm4b:s4+s14], $0x1, s12, s14, $0xb8;
	[tilespmem:$0xE00] =	vst v63  }
0x23: {  	_ = 	snop  }
0x24: {  	[tilespmem:s22], [sflag:$0x3] =	stream.indirect.gather [hbm4b:s2+s16], $0x1, s21, s16, $0xb8;
	[tilespmem:$0xE00] =	vst v63  }
0x25: {  	_ = 	snop  }
0x26: {  	[tilespmem:s23], [sflag:$0x3] =	stream.indirect.gather [hbm4b:s3+s16], $0x1, s21, s16, $0xb8;
	[tilespmem:$0xE00] =	vst v63  }
0x27: {  	_ = 	snop  }
0x28: {  	[tilespmem:s24], [sflag:$0x3] =	stream.indirect.gather [hbm4b:s4+s16], $0x1, s21, s16, $0xb8;
	[tilespmem:$0xE00] =	vst v63  }
0x29: {  	_ =	swait.ge [sflag:s25], $0x180  }
0x2a: {  	[sflag:s25] =	ssyncset.done $0x0  }
0x2b: {  	[sflag:s25] =	ssyncadd.s32 $0xFFFFFE80  }
0x2c: {  	_ =	swait.ge [sflag:s25], $0x180  }
0x2d: {  	[sflag:s25] =	ssyncset.done $0x0  }
0x2e: {  	[sflag:s25] =	ssyncadd.s32 $0xFFFFFE80  }
0x2f: {  	_ =	swait.ge [sflag:s25], $0x180  }
0x30: {  	[sflag:s25] =	ssyncset.done $0x0  }
0x31: {  	[sflag:s25] =	ssyncadd.s32 $0xFFFFFE80  }
0x32: {  	_ =	swait.ge [sflag:s25], $0x180  }
0x33: {  	[sflag:s25] =	ssyncset.done $0x0  }
0x34: {  	s15 =	simm.s32 $0x0;
	[sflag:s25] =	ssyncadd.s32 $0xFFFFFE80  }
0x35: {  	v0 =	vld [tilespmem:s15+$0x610];
	_ =	sdelay $0x3  }
0x36: {  	v1 =	vld [tilespmem:s15+$0x600]  }
0x37: {  	v2 =	vand.u32 $0x7FFFFFFF, v0  }
0x38: {  	v2 =	vsub.f32 $0.0e+00, v2;
	_ =	sdelay $0x1  }
0x39: {  	v2 =	vmul.f32 $1.442695020e+00, v2  }
0x3a: {  	v3 =	vand.u32 $0x7FFFFFFF, v1  }
0x3b: {  	(erf) = vpow2.f32 v2;
	v2 =	vsub.f32 $0.0e+00, v3;
	_ =	sdelay $0x1  }
0x3c: {  	v2 =	vmul.f32 $1.442695020e+00, v2;
	_ =	sdelay $0x1  }
0x3d: {  	(erf) = vpow2.f32 v2;
	_ =	sdelay $0x1  }
0x3e: {  	s0 =	simm.s32 $0x20  }
0x3f: {  	v2 =	vld [tilespmem:s0+$0x610];
	_ =	sdelay $0x1  }
0x40: {  	v4 =	vld [tilespmem:s0+$0x600];
	v3 =	vpop (erf)  }
0x41: {  	v5 =	vadd.f32 $2.000000000e+00, v3;
	_ =	sdelay $0x1  }
0x42: {  	(erf) = vrcp.f32 v5;
	v5 =	vand.u32 $0x7FFFFFFF, v2  }
0x43: {  	v6 =	vpop (erf);
	v5 =	vsub.f32 $0.0e+00, v5  }
0x44: {  	v7 =	vand.u32 $0x7FFFFFFF, v4;
	v8 =	vadd.f32 $2.000000000e+00, v6  }
0x45: {  	v7 =	vsub.f32 $0.0e+00, v7;
	v5 =	vmul.f32 $1.442695020e+00, v5  }
0x46: {  	(erf) = vrcp.f32 v8  }
0x47: {  	v7 =	vmul.f32 $1.442695020e+00, v7;
	(erf) = vpow2.f32 v5;
	_ =	sdelay $0x1  }
0x48: {  	(erf) = vpow2.f32 v7;
	_ =	sdelay $0x1  }
0x49: {  	v5 =	vpop (erf)  }
0x4a: {  	v3 =	vmul.f32 v5, v3;
	_ =	sdelay $0x1  }
0x4b: {  	v5 =	vmul.f32 v3, v3  }
0x4c: {  	v7 =	vpop (erf)  }
0x4d: {  	s31 =	simm.s32 $0x40;
	v8 =	vmul.f32 $1.428571490e-01, v5;
	v9 =	vmul.f32 v7, v6;
	v10 =	vpop (erf)  }
0x4e: {  	v7 =	vld [tilespmem:s31+$0x610];
	v11 =	vadd.f32 $2.000000000e+00, v10  }
0x4f: {  	v12 =	vpop (erf);
	v8 =	vadd.f32 $2.000000030e-01, v8;
	v13 =	vmul.f32 v9, v9  }
0x50: {  	v6 =	vld [tilespmem:s31+$0x600];
	v14 =	vadd.f32 $2.000000000e+00, v12;
	(erf) = vrcp.f32 v11  }
0x51: {  	v8 =	vmul.f32 v8, v5;
	v11 =	vmul.f32 $1.428571490e-01, v13  }
0x52: {  	(erf) = vrcp.f32 v14  }
0x53: {  	v14 =	vand.u32 $0x7FFFFFFF, v7;
	v8 =	vadd.f32 $3.333333430e-01, v8;
	v11 =	vadd.f32 $2.000000030e-01, v11  }
0x54: {  	v14 =	vsub.f32 $0.0e+00, v14  }
0x55: {  	v15 =	vand.u32 $0x7FFFFFFF, v6;
	v5 =	vmul.f32 v8, v5;
	v8 =	vmul.f32 v11, v13  }
0x56: {  	v15 =	vsub.f32 $0.0e+00, v15;
	v11 =	vmul.f32 $1.442695020e+00, v14  }
0x57: {  	v3 =	vadd.f32 v3, v3;
	v8 =	vadd.f32 $3.333333430e-01, v8  }
0x58: {  	v16 =	vld [tilespmem:s15+$0x410];
	v15 =	vmul.f32 $1.442695020e+00, v15;
	v5 =	vadd.f32 $1.000000000e+00, v5;
	(erf) = vpow2.f32 v11  }
0x59: {  	v14 =	vld [tilespmem:s15+$0x810]  }
0x5a: {  	(erf) = vpow2.f32 v15;
	v3 =	vmul.f32 v5, v3  }
0x5b: {  	v0 =	vmax.f32 v0, $0.0e+00;
	v5 =	vmul.f32 v8, v13;
	v8 =	vpop (erf)  }
0x5c: {  	v0 =	vadd.f32 v3, v0;
	v3 =	vmul.f32 v8, v10;
	v8 =	vpop (erf)  }
0x5d: {  	v9 =	vadd.f32 v9, v9;
	v13 =	vld [tilespmem:s15+$0x400];
	v5 =	vadd.f32 $1.000000000e+00, v5;
	v8 =	vmul.f32 v8, v12  }
0x5e: {  	v10 =	vsub.f32 v16, v14;
	v0 =	vmul.f32 $-1.702000020e+00, v0;
	v12 =	vld [tilespmem:s15+$0x800];
	v11 =	vmul.f32 v3, v3  }
0x5f: {  	v5 =	vmul.f32 v5, v9;
	v9 =	vmul.f32 v8, v8  }
0x60: {  	s5 =	simm.s32 $0x60;
	v1 =	vmax.f32 v1, $0.0e+00;
	v10 =	vmul.f32 v0, v10;
	v14 =	vmul.f32 $1.428571490e-01, v11  }
0x61: {  	v1 =	vadd.f32 v5, v1;
	v0 =	vld [tilespmem:s5+$0x610];
	v15 =	vpop (erf);
	v5 =	vmul.f32 $1.428571490e-01, v9  }
0x62: {  	v10 =	vmul.f32 $1.442695020e+00, v10;
	v17 =	vadd.f32 $2.000000000e+00, v15;
	v14 =	vadd.f32 $2.000000030e-01, v14  }
0x63: {  	v16 =	vmul.f32 $-1.702000020e+00, v1;
	v1 =	vld [tilespmem:s5+$0x600];
	v18 =	vpop (erf);
	v12 =	vsub.f32 v13, v12;
	v5 =	vadd.f32 $2.000000030e-01, v5  }
0x64: {  	(erf) = vpow2.f32 v10;
	v10 =	vadd.f32 $2.000000000e+00, v18;
	v14 =	vmul.f32 v14, v11  }
0x65: {  	(erf) = vrcp.f32 v17;
	v12 =	vmul.f32 v16, v12  }
0x66: {  	v13 =	vand.u32 $0x7FFFFFFF, v0;
	v5 =	vmul.f32 v5, v9;
	(erf) = vrcp.f32 v10  }
0x67: {  	v17 =	vld [tilespmem:s0+$0x410];
	v13 =	vsub.f32 $0.0e+00, v13;
	v10 =	vadd.f32 $3.333333430e-01, v14  }
0x68: {  	v16 =	vand.u32 $0x7FFFFFFF, v1;
	v12 =	vmul.f32 $1.442695020e+00, v12;
	v5 =	vadd.f32 $3.333333430e-01, v5  }
0x69: {  	v14 =	vld [tilespmem:s0+$0x800];
	v16 =	vsub.f32 $0.0e+00, v16;
	v13 =	vmul.f32 $1.442695020e+00, v13;
	v10 =	vmul.f32 v10, v11  }
0x6a: {  	v3 =	vadd.f32 v3, v3;
	v8 =	vadd.f32 v8, v8;
	v11 =	vld [tilespmem:s0+$0x400];
	v5 =	vmul.f32 v5, v9  }
0x6b: {  	v9 =	vld [tilespmem:s0+$0x810];
	v16 =	vmul.f32 $1.442695020e+00, v16;
	(erf) = vpow2.f32 v13;
	v10 =	vadd.f32 $1.000000000e+00, v10  }
0x6c: {  	v13 =	vld [tilespmem:s31+$0x800];
	(erf) = vpow2.f32 v12;
	v5 =	vadd.f32 $1.000000000e+00, v5  }
0x6d: {  	v4 =	vmax.f32 v4, $0.0e+00;
	(erf) = vpow2.f32 v16;
	v3 =	vmul.f32 v10, v3;
	v10 =	vld [tilespmem:s31+$0x400];
	v12 =	vpop (erf)  }
0x6e: {  	v2 =	vmax.f32 v2, $0.0e+00;
	v16 =	vld [tilespmem:s5+$0x800];
	v5 =	vmul.f32 v5, v8;
	v8 =	vpop (erf);
	v12 =	vadd.f32 $1.000000000e+00, v12  }
0x6f: {  	v11 =	vsub.f32 v11, v14;
	v2 =	vadd.f32 v3, v2;
	v3 =	vld [tilespmem:s5+$0x400];
	v15 =	vmul.f32 v8, v15;
	v8 =	vpop (erf)  }
0x70: {  	v8 =	vmul.f32 v8, v18;
	v4 =	vadd.f32 v5, v4;
	(erf) = vrcp.f32 v12  }
0x71: {  	v9 =	vsub.f32 v17, v9;
	v2 =	vmul.f32 $-1.702000020e+00, v2;
	v12 =	vmul.f32 v15, v15  }
0x72: {  	v14 =	vmul.f32 v8, v8;
	v5 =	vsub.f32 v10, v13;
	v10 =	vmul.f32 $-1.702000020e+00, v4  }
0x73: {  	s17 =	simm.s32 $0x80;
	v9 =	vmul.f32 v2, v9;
	v13 =	vmul.f32 $1.428571490e-01, v12  }
0x74: {  	v61 =	vadd.f32 v8, v8;
	v2 =	vld [tilespmem:s17+$0x610];
	v4 =	vsub.f32 v3, v16;
	v16 =	vpop (erf);
	v17 =	vmul.f32 $1.428571490e-01, v14  }
0x75: {  	v10 =	vmul.f32 v10, v11;
	v9 =	vmul.f32 $1.442695020e+00, v9;
	v13 =	vadd.f32 $2.000000030e-01, v13;
	v11 =	vpop (erf)  }
0x76: {  	v19 =	vld [tilespmem:s15+$0xA10];
	v20 =	vadd.f32 $2.000000000e+00, v16;
	v21 =	vpop (erf);
	v17 =	vadd.f32 $2.000000030e-01, v17  }
0x77: {  	v3 =	vld [tilespmem:s17+$0x600];
	(erf) = vpow2.f32 v9;
	v9 =	vadd.f32 $2.000000000e+00, v21;
	v13 =	vmul.f32 v13, v12  }
0x78: {  	v11 =	vadd.f32 $1.000000000e+00, v11;
	(erf) = vrcp.f32 v20;
	v17 =	vmul.f32 v17, v14  }
0x79: {  	v8 =	vand.u32 $0x7FFFFFFF, v2;
	(erf) = vrcp.f32 v9;
	v9 =	vadd.f32 $3.333333430e-01, v13  }
0x7a: {  	v10 =	vmul.f32 $1.442695020e+00, v10;
	v22 =	vsub.f32 $0.0e+00, v8;
	v17 =	vadd.f32 $3.333333430e-01, v17  }
0x7b: {  	v18 =	vsub.f32 $1.000000000e+00, v19;
	(erf) = vrcp.f32 v11;
	v9 =	vmul.f32 v9, v12  }
0x7c: {  	v13 =	vand.u32 $0x7FFFFFFF, v3;
	v11 =	vmul.f32 $1.442695020e+00, v22;
	v12 =	vmul.f32 v17, v14  }
0x7d: {  	v62 =	vld [tilespmem:s31+$0x410];
	v13 =	vsub.f32 $0.0e+00, v13;
	v14 =	vadd.f32 v15, v15  }
0x7e: {  	v8 =	vld [tilespmem:s15+$0xA00];
	v15 =	vpop (erf);
	v9 =	vadd.f32 $1.000000000e+00, v9;
	(erf) = vpow2.f32 v11;
	v11 =	vadd.f32 $1.000000000e+00, v12  }
0x7f: {  	v17 =	vld [tilespmem:s31+$0x810];
	v13 =	vmul.f32 $1.442695020e+00, v13;
	v12 =	vmul.f32 v15, v18  }
0x80: {  	v7 =	vmax.f32 v7, $0.0e+00;
	v18 =	vld [tilespmem:s17+$0x800];
	(erf) = vpow2.f32 v10;
	v9 =	vmul.f32 v9, v14;
	v10 =	vpop (erf)  }
0x81: {  	v14 =	vld [tilespmem:s17+$0x400];
	(erf) = vpow2.f32 v13;
	v13 =	vmul.f32 v11, v61;
	v10 =	vadd.f32 $1.000000000e+00, v10  }
0x82: {  	v6 =	vmax.f32 v6, $0.0e+00;
	v19 =	vadd.f32 v12, v19;
	v7 =	vadd.f32 v9, v7;
	v9 =	vld [tilespmem:s0+$0xA00];
	v11 =	vpop (erf)  }
0x83: {  	v15 =	vadd.f32 v13, v6;
	v6 =	vld [tilespmem:s0+$0xA10];
	v11 =	vmul.f32 v11, v16;
	v12 =	vpop (erf);
	(erf) = vrcp.f32 v10  }
0x84: {  	v17 =	vsub.f32 v62, v17;
	v63 =	vmul.f32 $-1.702000020e+00, v7;
	v12 =	vmul.f32 v12, v21  }
0x85: {  	v10 =	vsub.f32 $1.000000000e+00, v8;
	v15 =	vmul.f32 $-1.702000020e+00, v15;
	v13 =	vmul.f32 v11, v11  }
0x86: {  	s18 =	simm.s32 $0x280;
	[tilespmem:s15+$0xC10] =	vst v19;
	v7 =	vsub.f32 v14, v18;
	v16 =	vpop (erf);
	v17 =	vmul.f32 v63, v17;
	v14 =	vmul.f32 v12, v12  }
.LBB2_2:
0x87: {  	s19 =	sshra.s32 s18, $0x2;
	p0 =	sne.s32 s18, $0x580;
	s18 =	sadd.s32 $0x80, s18;
	v18 =	vmul.f32 $1.428571490e-01, v13;
	v16 =	vmul.f32 v16, v10;
	v10 =	vsub.f32 $1.000000000e+00, v9  }
0x88: {  	v19 =	vld [tilespmem:s19+$0x610];
	v20 =	vpop (erf);
	v21 =	vmul.f32 $1.428571490e-01, v14;
	v17 =	vmul.f32 $1.442695020e+00, v17;
	v22 =	vsub.f32 $1.000000000e+00, v6  }
0x89: {  	v15 =	vmul.f32 v15, v5;
	v23 =	vld [tilespmem:s19+$0x600];
	v18 =	vadd.f32 $2.000000030e-01, v18;
	v5 =	vpop (erf);
	v26 =	vadd.f32 v16, v8  }
0x8a: {  	v27 =	vadd.f32 $2.000000000e+00, v20;
	v24 =	vpop (erf);
	v21 =	vadd.f32 $2.000000030e-01, v21;
	(erf) = vpow2.f32 v17  }
0x8b: {  	v8 =	vmovc v9;
	v25 =	vadd.f32 $1.000000000e+00, v5;
	v5 =	vmovc v4;
	v17 =	vadd.f32 $2.000000000e+00, v24;
	v18 =	vmul.f32 v18, v13;
	[tilespmem:s15+$0xC00] =	vst v26;
	s15 =	smov.u32 s0;
	s0 =	smov.u32 s31;
	s31 =	smov.u32 s5  }
0x8c: {  	v12 =	vadd.f32 v12, v12;
	s5 =	smov.u32 s17;
	s17 =	smov.u32 s19;
	(erf) = vrcp.f32 v27;
	v9 =	vmul.f32 v21, v14;
	v16 =	vpop (erf)  }
0x8d: {  	v4 =	vmovc v7;
	v21 =	vand.u32 $0x7FFFFFFF, v19;
	(erf) = vrcp.f32 v17;
	v17 =	vadd.f32 $3.333333430e-01, v18  }
0x8e: {  	v7 =	vand.u32 $0x7FFFFFFF, v23;
	v18 =	vsub.f32 $0.0e+00, v21;
	v9 =	vadd.f32 $3.333333430e-01, v9  }
0x8f: {  	v7 =	vsub.f32 $0.0e+00, v7;
	v13 =	vmul.f32 v17, v13;
	(erf) = vrcp.f32 v25  }
0x90: {  	v11 =	vadd.f32 v11, v11;
	v17 =	vmul.f32 $1.442695020e+00, v18;
	v9 =	vmul.f32 v9, v14;
	v14 =	vld [tilespmem:s31+$0x810]  }
0x91: {  	v15 =	vmul.f32 $1.442695020e+00, v15;
	v7 =	vmul.f32 $1.442695020e+00, v7;
	v13 =	vadd.f32 $1.000000000e+00, v13;
	v18 =	vld [tilespmem:s31+$0x410]  }
0x92: {  	v16 =	vmul.f32 v16, v22;
	v21 =	vld [tilespmem:s17+$0x800];
	(erf) = vpow2.f32 v17;
	v9 =	vadd.f32 $1.000000000e+00, v9  }
0x93: {  	v22 =	vmax.f32 v0, $0.0e+00;
	v17 =	vld [tilespmem:s17+$0x400];
	v11 =	vmul.f32 v13, v11;
	(erf) = vpow2.f32 v15;
	v0 =	vpop (erf)  }
0x94: {  	(erf) = vpow2.f32 v7;
	v7 =	vmul.f32 v9, v12;
	v12 =	vadd.f32 $1.000000000e+00, v0;
	v0 =	vmovc v2;
	v2 =	vmovc v19  }
.Ltmp0:
0x95: {  	v25 =	vmax.f32 v1, $0.0e+00;
	v13 =	vpop (erf);
	v15 =	vadd.f32 v11, v22;
	v9 =	vld [tilespmem:s0+$0xA00];
	v22 =	vadd.f32 v16, v6;
	(pc) =	sbr.rel @p0 .LBB2_2-.Ltmp0, $4  }
0x96: {  	v11 =	vmul.f32 v13, v20;
	v13 =	vpop (erf);
	v19 =	vadd.f32 v7, v25;
	v6 =	vld [tilespmem:s0+$0xA10];
	(erf) = vrcp.f32 v12  }
0x97: {  	v1 =	vmovc v3;
	v18 =	vsub.f32 v18, v14;
	v12 =	vmul.f32 v13, v24;
	v20 =	vmul.f32 $-1.702000020e+00, v15;
	[tilespmem:s15+$0xC10] =	vst v22  }
0x98: {  	v7 =	vsub.f32 v17, v21;
	v13 =	vmul.f32 v11, v11;
	v15 =	vmul.f32 $-1.702000020e+00, v19;
	v16 =	vpop (erf)  }
0x99: {  	v3 =	vmov v23;
	v14 =	vmul.f32 v12, v12;
	v17 =	vmul.f32 v20, v18  }
0x9a: {  	_ = 	snop  }
0x9b: {  	v18 =	vpop (erf);
	v17 =	vmul.f32 $1.442695020e+00, v17  }
0x9c: {  	v19 =	vpop (erf);
	v20 =	vadd.f32 $2.000000000e+00, v18  }
0x9d: {  	v21 =	vmul.f32 $1.428571490e-01, v13;
	v22 =	vpop (erf);
	(erf) = vpow2.f32 v17  }
0x9e: {  	(erf) = vrcp.f32 v20;
	v44 =	vadd.f32 $2.000000000e+00, v22  }
0x9f: {  	v43 =	vmul.f32 $1.428571490e-01, v14;
	v21 =	vadd.f32 $2.000000030e-01, v21  }
0xa0: {  	(erf) = vrcp.f32 v44  }
0xa1: {  	v10 =	vmul.f32 v16, v10;
	v17 =	vadd.f32 $2.000000030e-01, v43;
	v45 =	vmul.f32 v21, v13  }
0xa2: {  	v5 =	vmul.f32 v15, v5  }
0xa3: {  	v8 =	vadd.f32 v10, v8;
	v17 =	vmul.f32 v17, v14;
	v10 =	vadd.f32 $3.333333430e-01, v45  }
0xa4: {  	v5 =	vmul.f32 $1.442695020e+00, v5  }
0xa5: {  	v46 =	vadd.f32 $1.000000000e+00, v19;
	v47 =	vpop (erf);
	v17 =	vadd.f32 $3.333333430e-01, v17;
	v10 =	vmul.f32 v10, v13  }
0xa6: {  	v11 =	vadd.f32 v11, v11;
	[tilespmem:s15+$0xC00] =	vst v8;
	v48 =	vpop (erf)  }
0xa7: {  	v49 =	vld [tilespmem:s5+$0x810];
	(erf) = vrcp.f32 v46;
	v8 =	vmul.f32 v17, v14;
	v10 =	vadd.f32 $1.000000000e+00, v10;
	v50 =	vpop (erf)  }
0xa8: {  	v12 =	vadd.f32 v12, v12;
	v51 =	vld [tilespmem:s5+$0x410];
	v16 =	vmul.f32 v50, v18  }
0xa9: {  	v8 =	vadd.f32 $1.000000000e+00, v8;
	v10 =	vmul.f32 v10, v11;
	(erf) = vpow2.f32 v5;
	v5 =	vpop (erf)  }
0xaa: {  	v0 =	vmax.f32 v0, $0.0e+00;
	v5 =	vmul.f32 v5, v22;
	v18 =	vmul.f32 v16, v16  }
0xab: {  	v1 =	vmax.f32 v1, $0.0e+00;
	v52 =	vsub.f32 $1.000000000e+00, v6;
	v8 =	vmul.f32 v8, v12  }
0xac: {  	v0 =	vadd.f32 v10, v0;
	v10 =	vmul.f32 v5, v5;
	v53 =	vmul.f32 $1.428571490e-01, v18  }
0xad: {  	v15 =	vmul.f32 v47, v52;
	v14 =	vsub.f32 v51, v49;
	v13 =	vadd.f32 $1.000000000e+00, v48  }
0xae: {  	v0 =	vmul.f32 $-1.702000020e+00, v0;
	v54 =	vmul.f32 $1.428571490e-01, v10;
	v12 =	vadd.f32 $2.000000030e-01, v53  }
0xaf: {  	v11 =	vsub.f32 $1.000000000e+00, v9;
	v1 =	vadd.f32 v8, v1;
	(erf) = vrcp.f32 v13  }
0xb0: {  	v8 =	vpop (erf);
	v0 =	vmul.f32 v0, v14;
	v55 =	vadd.f32 $2.000000030e-01, v54;
	v12 =	vmul.f32 v12, v18  }
0xb1: {  	v6 =	vadd.f32 v15, v6;
	v1 =	vmul.f32 $-1.702000020e+00, v1;
	v8 =	vmul.f32 v8, v11  }
0xb2: {  	v0 =	vmul.f32 $1.442695020e+00, v0;
	v56 =	vpop (erf);
	v13 =	vmul.f32 v55, v10;
	v12 =	vadd.f32 $3.333333430e-01, v12  }
0xb3: {  	v57 =	vld [tilespmem:s31+$0xA10];
	v1 =	vmul.f32 v1, v4;
	v4 =	vadd.f32 v8, v9;
	v8 =	vadd.f32 $1.000000000e+00, v56  }
0xb4: {  	v11 =	vld [tilespmem:s31+$0xA00];
	[tilespmem:s0+$0xC10] =	vst v6;
	(erf) = vpow2.f32 v0;
	v0 =	vadd.f32 $3.333333430e-01, v13;
	v6 =	vmul.f32 v12, v18  }
0xb5: {  	v1 =	vmul.f32 $1.442695020e+00, v1;
	[tilespmem:s0+$0xC00] =	vst v4;
	v4 =	vadd.f32 v16, v16  }
0xb6: {  	v9 =	vld [tilespmem:s17+$0x410];
	(erf) = vrcp.f32 v8;
	v0 =	vmul.f32 v0, v10;
	v6 =	vadd.f32 $1.000000000e+00, v6  }
0xb7: {  	v8 =	vld [tilespmem:s17+$0x810];
	(erf) = vpow2.f32 v1  }
0xb8: {  	v1 =	vadd.f32 v5, v5;
	v0 =	vadd.f32 $1.000000000e+00, v0;
	v4 =	vmul.f32 v6, v4  }
0xb9: {  	v2 =	vmax.f32 v2, $0.0e+00  }
0xba: {  	v0 =	vmul.f32 v0, v1;
	v1 =	vadd.f32 v4, v2  }
0xbb: {  	v2 =	vmax.f32 v3, $0.0e+00  }
0xbc: {  	v0 =	vadd.f32 v0, v2;
	v2 =	vsub.f32 v9, v8;
	v1 =	vmul.f32 $-1.702000020e+00, v1  }
0xbd: {  	v3 =	vpop (erf)  }
0xbe: {  	v4 =	vpop (erf);
	v0 =	vmul.f32 $-1.702000020e+00, v0;
	v1 =	vmul.f32 v1, v2  }
0xbf: {  	v2 =	vadd.f32 $1.000000000e+00, v4;
	v4 =	vpop (erf)  }
0xc0: {  	v5 =	vpop (erf);
	v1 =	vmul.f32 $1.442695020e+00, v1;
	v0 =	vmul.f32 v0, v7  }
0xc1: {  	(erf) = vrcp.f32 v2;
	v2 =	vadd.f32 $1.000000000e+00, v5  }
0xc2: {  	(erf) = vpow2.f32 v1;
	v0 =	vmul.f32 $1.442695020e+00, v0  }
0xc3: {  	(erf) = vrcp.f32 v2  }
0xc4: {  	(erf) = vpow2.f32 v0;
	_ =	sdelay $0x5  }
0xc5: {  	v2 =	vsub.f32 $1.000000000e+00, v11;
	v0 =	vsub.f32 $1.000000000e+00, v57;
	v1 =	vpop (erf)  }
0xc6: {  	v5 =	vpop (erf)  }
0xc7: {  	v2 =	vmul.f32 v4, v2;
	v0 =	vmul.f32 v3, v0;
	v3 =	vpop (erf)  }
0xc8: {  	v4 =	vadd.f32 $1.000000000e+00, v5;
	v5 =	vpop (erf)  }
0xc9: {  	v2 =	vadd.f32 v2, v11;
	v5 =	vadd.f32 $1.000000000e+00, v5  }
0xca: {  	v6 =	vld [tilespmem:s5+$0xA00];
	v0 =	vadd.f32 v0, v57;
	(erf) = vrcp.f32 v4  }
0xcb: {  	v7 =	vld [tilespmem:s5+$0xA10];
	[tilespmem:s31+$0xC00] =	vst v2;
	(erf) = vrcp.f32 v5  }
0xcc: {  	[tilespmem:s31+$0xC10] =	vst v0  }
0xcd: {  	v0 =	vld [tilespmem:s17+$0xA10]  }
0xce: {  	v2 =	vld [tilespmem:s17+$0xA00]  }
0xcf: {  	v5 =	vsub.f32 $1.000000000e+00, v6  }
0xd0: {  	v4 =	vsub.f32 $1.000000000e+00, v7;
	_ =	sdelay $0x1  }
0xd1: {  	v1 =	vmul.f32 v1, v4;
	v4 =	vsub.f32 $1.000000000e+00, v0  }
0xd2: {  	v8 =	vsub.f32 $1.000000000e+00, v2;
	v3 =	vmul.f32 v3, v5;
	v5 =	vpop (erf)  }
0xd3: {  	v1 =	vadd.f32 v1, v7;
	v4 =	vmul.f32 v5, v4;
	v5 =	vpop (erf)  }
0xd4: {  	v3 =	vadd.f32 v3, v6;
	v5 =	vmul.f32 v5, v8  }
0xd5: {  	[tilespmem:s5+$0xC10] =	vst v1;
	v0 =	vadd.f32 v4, v0  }
0xd6: {  	[tilespmem:s5+$0xC00] =	vst v3;
	v1 =	vadd.f32 v5, v2  }
0xd7: {  	[tilespmem:s17+$0xC10] =	vst v0  }
0xd8: {  	s31 =	simm.s32 $0x0;
	[tilespmem:s17+$0xC00] =	vst v1  }
0xd9: {  	[hbm4b:s8+s31] =	stream.linear.scatter [tilespmem:s26], [sflag:$0x1], $0x180, $0x38;
	[tilespmem:$0xE00] =	vst v63  }
0xda: {  	_ =	swait.ge [sflag:s28], $0x80  }
0xdb: {  	[sflag:s28] =	ssyncset.done $0x0  }
0xdc: {  	[sflag:s28] =	ssyncadd.s32 $0xFFFFFF80  }
0xdd: {  	_ =	swait.ge [sflag:s28], $0x80  }
0xde: {  	[sflag:s28] =	ssyncset.done $0x0  }
0xdf: {  	[sflag:s28] =	ssyncadd.s32 $0xFFFFFF80  }
0xe0: {  	_ =	swait.ge [sflag:s28], $0x80  }
0xe1: {  	[sflag:s28] =	ssyncset.done $0x0  }
0xe2: {  	[sflag:s28] =	ssyncadd.s32 $0xFFFFFF80  }
0xe3: {  	_ =	swait.ge [sflag:s28], $0x80  }
0xe4: {  	[sflag:s28] =	ssyncset.done $0x0  }
0xe5: {  	s0 =	simm.s32 $0x0;
	[sflag:s28] =	ssyncadd.s32 $0xFFFFFF80  }
0xe6: {  	v2 =	vld [tilespmem:s0+$0x780]  }
0xe7: {  	v3 =	vld [tilespmem:s0+$0x790];
	_ =	sdelay $0x3  }
0xe8: {  	v0 =	vand.u32 $0x7FFFFFFF, v2  }
0xe9: {  	v1 =	vand.u32 $0x7FFFFFFF, v3;
	v0 =	vsub.f32 $0.0e+00, v0  }
0xea: {  	v1 =	vsub.f32 $0.0e+00, v1  }
0xeb: {  	v0 =	vmul.f32 $1.442695020e+00, v0  }
0xec: {  	v1 =	vmul.f32 $1.442695020e+00, v1  }
0xed: {  	(erf) = vpow2.f32 v0  }
0xee: {  	(erf) = vpow2.f32 v1;
	_ =	sdelay $0x7  }
0xef: {  	v0 =	vpop (erf)  }
0xf0: {  	v1 =	vadd.f32 $2.000000000e+00, v0;
	v4 =	vpop (erf)  }
0xf1: {  	v5 =	vadd.f32 $2.000000000e+00, v4  }
0xf2: {  	(erf) = vrcp.f32 v1  }
0xf3: {  	(erf) = vrcp.f32 v5;
	_ =	sdelay $0x7  }
0xf4: {  	v1 =	vpop (erf)  }
0xf5: {  	v5 =	vmul.f32 v1, v0;
	v0 =	vpop (erf)  }
0xf6: {  	v4 =	vmul.f32 v0, v4  }
0xf7: {  	v6 =	vmul.f32 v5, v5  }
0xf8: {  	v7 =	vmul.f32 v4, v4  }
0xf9: {  	v0 =	vmul.f32 $1.428571490e-01, v6  }
0xfa: {  	v1 =	vmul.f32 $1.428571490e-01, v7  }
0xfb: {  	v0 =	vadd.f32 $2.000000030e-01, v0  }
0xfc: {  	v1 =	vadd.f32 $2.000000030e-01, v1  }
0xfd: {  	v0 =	vmul.f32 v0, v6  }
0xfe: {  	v1 =	vmul.f32 v1, v7  }
0xff: {  	s5 =	simm.s32 $0x20;
	v8 =	vadd.f32 $3.333333430e-01, v0  }
0x100: {  	v0 =	vld [tilespmem:s5+$0x780];
	v9 =	vadd.f32 $3.333333430e-01, v1  }
0x101: {  	v1 =	vld [tilespmem:s5+$0x790];
	v6 =	vmul.f32 v8, v6  }
0x102: {  	v10 =	vld [tilespmem:s0+$0x590];
	v7 =	vmul.f32 v9, v7  }
0x103: {  	v5 =	vadd.f32 v5, v5;
	v8 =	vld [tilespmem:s0+$0x580];
	v6 =	vadd.f32 $1.000000000e+00, v6  }
0x104: {  	v4 =	vadd.f32 v4, v4;
	v9 =	vld [tilespmem:s0+$0x980];
	v7 =	vadd.f32 $1.000000000e+00, v7  }
0x105: {  	v11 =	vld [tilespmem:s0+$0x990];
	v2 =	vmax.f32 v2, $0.0e+00;
	v58 =	vand.u32 $0x7FFFFFFF, v0;
	v5 =	vmul.f32 v6, v5  }
0x106: {  	v6 =	vsub.f32 $0.0e+00, v58;
	v59 =	vand.u32 $0x7FFFFFFF, v1;
	v4 =	vmul.f32 v7, v4  }
0x107: {  	v3 =	vmax.f32 v3, $0.0e+00;
	v7 =	vsub.f32 $0.0e+00, v59;
	v2 =	vadd.f32 v5, v2  }
0x108: {  	v5 =	vmul.f32 $1.442695020e+00, v6;
	v3 =	vadd.f32 v4, v3  }
0x109: {  	v4 =	vsub.f32 v8, v9;
	v6 =	vmul.f32 $1.442695020e+00, v7;
	v2 =	vmul.f32 $-1.702000020e+00, v2  }
0x10a: {  	v7 =	vsub.f32 v10, v11;
	(erf) = vpow2.f32 v5;
	v3 =	vmul.f32 $-1.702000020e+00, v3  }
0x10b: {  	(erf) = vpow2.f32 v6;
	v2 =	vmul.f32 v2, v4  }
0x10c: {  	v3 =	vmul.f32 v3, v7  }
0x10d: {  	v2 =	vmul.f32 $1.442695020e+00, v2  }
0x10e: {  	v3 =	vmul.f32 $1.442695020e+00, v3  }
0x10f: {  	(erf) = vpow2.f32 v2  }
0x110: {  	(erf) = vpow2.f32 v3;
	_ =	sdelay $0x2  }
0x111: {  	v2 =	vpop (erf)  }
0x112: {  	v3 =	vadd.f32 $2.000000000e+00, v2;
	v4 =	vpop (erf)  }
0x113: {  	v5 =	vadd.f32 $2.000000000e+00, v4  }
0x114: {  	(erf) = vrcp.f32 v3  }
0x115: {  	(erf) = vrcp.f32 v5  }
0x116: {  	v3 =	vpop (erf)  }
0x117: {  	v3 =	vadd.f32 $1.000000000e+00, v3;
	v5 =	vpop (erf)  }
0x118: {  	v5 =	vadd.f32 $1.000000000e+00, v5  }
0x119: {  	(erf) = vrcp.f32 v3  }
0x11a: {  	(erf) = vrcp.f32 v5;
	_ =	sdelay $0x1  }
0x11b: {  	v9 =	vld [tilespmem:s0+$0xB80]  }
0x11c: {  	v8 =	vld [tilespmem:s0+$0xB90];
	v3 =	vpop (erf)  }
0x11d: {  	v5 =	vmul.f32 v3, v2;
	v2 =	vpop (erf)  }
0x11e: {  	v4 =	vmul.f32 v2, v4  }
0x11f: {  	v3 =	vld [tilespmem:s5+$0x580];
	v7 =	vmul.f32 v5, v5  }
0x120: {  	v10 =	vsub.f32 $1.000000000e+00, v9;
	v2 =	vld [tilespmem:s5+$0x980];
	v6 =	vmul.f32 v4, v4  }
0x121: {  	v11 =	vsub.f32 $1.000000000e+00, v8;
	v60 =	vmul.f32 $1.428571490e-01, v7;
	v61 =	vpop (erf)  }
0x122: {  	v62 =	vmul.f32 $1.428571490e-01, v6;
	v63 =	vpop (erf);
	v13 =	vmul.f32 v61, v10  }
0x123: {  	v12 =	vadd.f32 $2.000000030e-01, v60;
	v15 =	vmul.f32 v63, v11  }
0x124: {  	v10 =	vadd.f32 $2.000000030e-01, v62;
	v9 =	vadd.f32 v13, v9  }
0x125: {  	s15 =	simm.s32 $0x100;
	v2 =	vsub.f32 v3, v2;
	v3 =	vld [tilespmem:s5+$0x590];
	v11 =	vmul.f32 v12, v7;
	v8 =	vadd.f32 v15, v8  }
.LBB2_4:
0x126: {  	p0 =	sne.s32 s15, $0x180;
	v10 =	vmul.f32 v10, v6;
	[tilespmem:s0+$0xD80] =	vst v9;
	s17 =	smov.u32 s15;
	s15 =	sadd.s32 $0x80, s15  }
0x127: {  	v9 =	vadd.f32 $3.333333430e-01, v11;
	v11 =	vld [tilespmem:s5+$0x990];
	[tilespmem:s0+$0xD90] =	vst v8;
	s0 =	smov.u32 s5;
	s5 =	sshra.s32 s17, $0x2  }
0x128: {  	v8 =	vld [tilespmem:s5+$0x780];
	v10 =	vadd.f32 $3.333333430e-01, v10  }
0x129: {  	v12 =	vld [tilespmem:s5+$0x790];
	v7 =	vmul.f32 v9, v7  }
0x12a: {  	v5 =	vadd.f32 v5, v5;
	v9 =	vld [tilespmem:s5+$0x580];
	v6 =	vmul.f32 v10, v6  }
0x12b: {  	v4 =	vadd.f32 v4, v4;
	v10 =	vld [tilespmem:s5+$0x980];
	v7 =	vadd.f32 $1.000000000e+00, v7  }
0x12c: {  	v14 =	vmax.f32 v0, $0.0e+00;
	v13 =	vld [tilespmem:s5+$0x590];
	v6 =	vadd.f32 $1.000000000e+00, v6  }
0x12d: {  	v15 =	vand.u32 $0x7FFFFFFF, v8;
	v5 =	vmul.f32 v7, v5;
	v7 =	vmax.f32 v1, $0.0e+00;
	v0 =	vmovc v8  }
0x12e: {  	v8 =	vsub.f32 $0.0e+00, v15;
	v15 =	vand.u32 $0x7FFFFFFF, v12;
	v4 =	vmul.f32 v6, v4;
	v1 =	vmovc v12  }
0x12f: {  	v6 =	vsub.f32 $0.0e+00, v15;
	v5 =	vadd.f32 v5, v14  }
0x130: {  	v8 =	vmul.f32 $1.442695020e+00, v8;
	v9 =	vsub.f32 v9, v10;
	v4 =	vadd.f32 v4, v7  }
0x131: {  	v7 =	vsub.f32 v3, v11;
	v6 =	vmul.f32 $1.442695020e+00, v6;
	v5 =	vmul.f32 $-1.702000020e+00, v5;
	v3 =	vmovc v13  }
0x132: {  	(erf) = vpow2.f32 v8;
	v4 =	vmul.f32 $-1.702000020e+00, v4  }
0x133: {  	(erf) = vpow2.f32 v6;
	v5 =	vmul.f32 v5, v2;
	v2 =	vmov v9  }
0x134: {  	v4 =	vmul.f32 v4, v7  }
0x135: {  	v5 =	vmul.f32 $1.442695020e+00, v5  }
0x136: {  	v4 =	vmul.f32 $1.442695020e+00, v4  }
0x137: {  	(erf) = vpow2.f32 v5  }
0x138: {  	(erf) = vpow2.f32 v4;
	_ =	sdelay $0x2  }
0x139: {  	v4 =	vpop (erf)  }
0x13a: {  	v5 =	vadd.f32 $2.000000000e+00, v4;
	v6 =	vpop (erf)  }
0x13b: {  	v7 =	vadd.f32 $2.000000000e+00, v6  }
0x13c: {  	(erf) = vrcp.f32 v5  }
0x13d: {  	(erf) = vrcp.f32 v7  }
0x13e: {  	v5 =	vpop (erf)  }
0x13f: {  	v5 =	vadd.f32 $1.000000000e+00, v5;
	v7 =	vpop (erf)  }
0x140: {  	v7 =	vadd.f32 $1.000000000e+00, v7  }
0x141: {  	(erf) = vrcp.f32 v5  }
0x142: {  	(erf) = vrcp.f32 v7  }
0x143: {  	v8 =	vld [tilespmem:s0+$0xB90]  }
0x144: {  	v9 =	vld [tilespmem:s0+$0xB80]  }
0x145: {  	v5 =	vpop (erf)  }
0x146: {  	v5 =	vmul.f32 v5, v4;
	v4 =	vpop (erf)  }
0x147: {  	v4 =	vmul.f32 v4, v6  }
0x148: {  	v7 =	vmul.f32 v5, v5  }
0x149: {  	v11 =	vsub.f32 $1.000000000e+00, v8;
	v6 =	vmul.f32 v4, v4;
	v15 =	vsub.f32 $1.000000000e+00, v9  }
.Ltmp1:
0x14a: {  	v12 =	vmul.f32 $1.428571490e-01, v7;
	v13 =	vpop (erf);
	(pc) =	sbr.rel @p0 .LBB2_4-.Ltmp1, $4  }
0x14b: {  	v14 =	vmul.f32 $1.428571490e-01, v6;
	v13 =	vmul.f32 v13, v15;
	v10 =	vpop (erf)  }
0x14c: {  	v12 =	vadd.f32 $2.000000030e-01, v12;
	v15 =	vmul.f32 v10, v11  }
0x14d: {  	v10 =	vadd.f32 $2.000000030e-01, v14;
	v9 =	vadd.f32 v13, v9  }
0x14e: {  	v11 =	vmul.f32 v12, v7;
	v8 =	vadd.f32 v15, v8  }
0x14f: {  	v10 =	vmul.f32 v10, v6  }
0x150: {  	v11 =	vadd.f32 $3.333333430e-01, v11  }
0x151: {  	v10 =	vadd.f32 $3.333333430e-01, v10  }
0x152: {  	v7 =	vmul.f32 v11, v7  }
0x153: {  	v57 =	vmul.f32 v10, v6  }
0x154: {  	v5 =	vadd.f32 v5, v5;
	v7 =	vadd.f32 $1.000000000e+00, v7  }
0x155: {  	[tilespmem:s0+$0xD80] =	vst v9;
	v4 =	vadd.f32 v4, v4;
	v6 =	vadd.f32 $1.000000000e+00, v57  }
0x156: {  	v9 =	vld [tilespmem:s5+$0x990];
	v5 =	vmul.f32 v7, v5  }
0x157: {  	v0 =	vmax.f32 v0, $0.0e+00;
	v4 =	vmul.f32 v6, v4  }
0x158: {  	v1 =	vmax.f32 v1, $0.0e+00;
	v0 =	vadd.f32 v5, v0  }
0x159: {  	v1 =	vadd.f32 v4, v1  }
0x15a: {  	v0 =	vmul.f32 $-1.702000020e+00, v0  }
0x15b: {  	v3 =	vsub.f32 v3, v9;
	v1 =	vmul.f32 $-1.702000020e+00, v1  }
0x15c: {  	v0 =	vmul.f32 v0, v2  }
0x15d: {  	v1 =	vmul.f32 v1, v3  }
0x15e: {  	v0 =	vmul.f32 $1.442695020e+00, v0  }
0x15f: {  	v1 =	vmul.f32 $1.442695020e+00, v1  }
0x160: {  	(erf) = vpow2.f32 v0  }
0x161: {  	(erf) = vpow2.f32 v1;
	_ =	sdelay $0x7  }
0x162: {  	v0 =	vpop (erf)  }
0x163: {  	v0 =	vadd.f32 $1.000000000e+00, v0;
	v1 =	vpop (erf)  }
0x164: {  	v1 =	vadd.f32 $1.000000000e+00, v1  }
0x165: {  	(erf) = vrcp.f32 v0  }
0x166: {  	(erf) = vrcp.f32 v1  }
0x167: {  	[tilespmem:s0+$0xD90] =	vst v8  }
0x168: {  	v58 =	vld [tilespmem:s5+$0xB80]  }
0x169: {  	v59 =	vld [tilespmem:s5+$0xB90];
	_ =	sdelay $0x3  }
0x16a: {  	v60 =	vsub.f32 $1.000000000e+00, v58  }
0x16b: {  	v61 =	vsub.f32 $1.000000000e+00, v59;
	v62 =	vpop (erf)  }
0x16c: {  	v2 =	vmul.f32 v62, v60;
	v63 =	vpop (erf)  }
0x16d: {  	v3 =	vmul.f32 v63, v61  }
0x16e: {  	v0 =	vadd.f32 v2, v58  }
0x16f: {  	v1 =	vadd.f32 v3, v59  }
0x170: {  	[tilespmem:s5+$0xD80] =	vst v0  }
0x171: {  	s30 =	sadd.s32 $0x1, s30;
	[tilespmem:s5+$0xD90] =	vst v1  }
0x172: {  	[hbm4b:s10+s6] =	stream.linear.scatter [tilespmem:s29], [sflag:$0x1], $0x80, $0x38;
	[tilespmem:$0xE00] =	vst v63  }
0x173: {  	p0 =	sne.s32 s30, s11;
	_ =	swait.ge [sflag:s13], $0x180  }
.Ltmp2:
0x174: {  	[sflag:s13] =	ssyncset.done $0x0;
	(pc) =	sbr.rel @p0 .LBB2_1-.Ltmp2, $4  }
0x175: {  	[sflag:s13] =	ssyncadd.s32 $0xFFFFFE80  }
0x176: {  	_ =	swait.ge [sflag:s13], $0x80  }
0x177: {  	[sflag:s13] =	ssyncset.done $0x0  }
0x178: {  	[sflag:s13] =	ssyncadd.s32 $0xFFFFFF80  }
0x179: {  	_ =	sfence.sel $0x180000  }
0x17a: {  	[bflag:$0x0] =	sbarrier.arrive $0xFFFF  }
0x17b: {  	_ =	strace $0x90000047  }
0x17c: {  	s0 =	stileid.u32;
	[bflag:$0x2] =	sbarrier.arrive $0xFFFF  }
0x17d: {  	p0 =	sne.s32 s0, $0x0;
	s0 =	rddreg [dreg:$0x7]  }
0x17e: {  	s0 =	sadd.s32 @!p0 $0x100000, s0  }
0x17f: {  	[sflag:s0] =	ssyncadd.tile.s32 @!p0 $0x1;
	_ =	shalt  }
.Lfunc_end2:
_tile_overlayer_lowered:
.L_overlay_start_2:
0x180: {  	(tag) =	ssettag $0x2  }
0x181: {  	s0 =	rddreg [dreg:$0x0];
	s2 =	stileid.u32  }
0x182: {  	s1 =	rddreg [dreg:$0x1];
	p0 =	sne.s32 s2, $0x0  }
0x183: {  	s3 =	rddreg [dreg:$0x2];
	[bflag:$0x3] =	sbarrier.arrive $0xFFFF;
	s2 =	simm.s32 @!p0 $0x1C04  }
0x184: {  	[timem:s3], [sflag:s2] =	dma.local @!p0 [hbm:s0], s1  }
0x185: {  	s0 =	simm.s32 @!p0 $0x4  }
0x186: {  	_ =	swait.ge @!p0 [sflag:s0], s1  }
0x187: {  	s1 =	ssub.s32 @!p0 $0x0, s1;
	[sflag:s0] =	ssyncset.done @!p0 $0x0  }
0x188: {  	[sflag:s0] =	ssyncadd.s32 @!p0 s1  }
0x189: {  	[bflag:$0x3] =	sbarrier.arrive $0xFFFF  }
0x18a: {  	_ =	shalt  }

</sc_bundles>
